<compile_context>
chip_gen: v7x
topology: tpu7x:2x2x1
jax: 0.10.2.dev20260603
libtpu: 0.0.44.dev20260713+nightly
codegen_flags: <defaults>
</compile_context>

<pallas_src>
import functools

import jax
import jax.numpy as jnp
from jax import lax
from jax.experimental import pallas as pl
from jax.experimental.pallas import tpu as pltpu
from jax.experimental.pallas import tpu_sc as plsc

L = 16
NC, NS = 2, 16
NW = NC * NS
GCHUNK = 128
PD_ROUNDS = 8


def _tc_build_body(dofs_ref, out_ref, *, rpb):
    phi_p = dofs_ref[0]
    theta = dofs_ref[1]
    d = dofs_ref[2]
    phi_c = dofs_ref[3]

    cp, sp = jnp.cos(0.5 * phi_p), jnp.sin(0.5 * phi_p)
    ct, st = jnp.cos(0.5 * theta), jnp.sin(0.5 * theta)
    cc, sc_ = jnp.cos(0.5 * phi_c), jnp.sin(0.5 * phi_c)
    w1 = cp * ct
    x1 = sp * ct
    y1 = -sp * st
    z1 = cp * st
    qw = w1 * cc - x1 * sc_
    qx = w1 * sc_ + x1 * cc
    qy = y1 * cc + z1 * sc_
    qz = z1 * cc - y1 * sc_
    ctf, stf = 1.0 - 2.0 * st * st, 2.0 * st * ct
    cpf, spf = 1.0 - 2.0 * sp * sp, 2.0 * sp * cp
    tx = d * ctf
    ty = cpf * d * stf
    tz = spf * d * stf

    sub = lax.broadcasted_iota(jnp.int32, (rpb, 128), 0)
    lane = lax.broadcasted_iota(jnp.int32, (rpb, 128), 1)
    gidx = (pl.program_id(0) * rpb + sub) * 128 + lane
    is_root = gidx == 0
    zero = jnp.zeros_like(qw)
    one = jnp.ones_like(qw)
    out_ref[0] = jnp.where(is_root, one, qw)
    out_ref[1] = jnp.where(is_root, zero, qx)
    out_ref[2] = jnp.where(is_root, zero, qy)
    out_ref[3] = jnp.where(is_root, zero, qz)
    out_ref[4] = jnp.where(is_root, zero, tx)
    out_ref[5] = jnp.where(is_root, zero, ty)
    out_ref[6] = jnp.where(is_root, zero, tz)


def _tc_build(dofs_planes, npad):
    nrow = npad // 128
    grid = 2
    rpb = nrow // grid
    return pl.pallas_call(
        functools.partial(_tc_build_body, rpb=rpb),
        grid=(grid,),
        in_specs=[pl.BlockSpec((4, rpb, 128), lambda i: (0, i, 0))],
        out_specs=pl.BlockSpec((7, rpb, 128), lambda i: (0, i, 0)),
        out_shape=jax.ShapeDtypeStruct((7, nrow, 128), jnp.float32),
    )(dofs_planes)


def _compose_group(par, own, out, g):
    ii = lax.iota(jnp.int32, L)
    r0 = ii + g * L

    def col(c):
        return lax.broadcast(jnp.int32(c), (L,))

    def loadf(ref, c):
        return plsc.bitcast(plsc.load_gather(ref, [r0, col(c)]), jnp.float32)

    pw = loadf(par, 0)
    px = loadf(par, 1)
    py = loadf(par, 2)
    pz = loadf(par, 3)
    ptx = loadf(par, 4)
    pty = loadf(par, 5)
    ptz = loadf(par, 6)
    pa = plsc.load_gather(par, [r0, col(7)])

    cw = loadf(own, 0)
    cx = loadf(own, 1)
    cy = loadf(own, 2)
    cz = loadf(own, 3)
    ctx = loadf(own, 4)
    cty = loadf(own, 5)
    ctz = loadf(own, 6)

    nw_ = pw * cw - px * cx - py * cy - pz * cz
    nx = pw * cx + px * cw + py * cz - pz * cy
    ny = pw * cy - px * cz + py * cw + pz * cx
    nz = pw * cz + px * cy - py * cx + pz * cw
    ux = py * ctz - pz * cty
    uy = pz * ctx - px * ctz
    uz = px * cty - py * ctx
    wx = py * uz - pz * uy
    wy = pz * ux - px * uz
    wz = px * uy - py * ux
    two = jnp.float32(2.0)
    ntx = ptx + ctx + two * (pw * ux + wx)
    nty = pty + cty + two * (pw * uy + wy)
    ntz = ptz + ctz + two * (pw * uz + wz)

    def storef(c, v):
        plsc.store_scatter(out, [r0, col(c)], plsc.bitcast(v, jnp.int32))

    storef(0, nw_)
    storef(1, nx)
    storef(2, ny)
    storef(3, nz)
    storef(4, ntx)
    storef(5, nty)
    storef(6, ntz)
    plsc.store_scatter(out, [r0, col(7)], pa)
    return pa


def _pd_step_body(a_hbm, b_hbm, flags_hbm, own, par, idx, flagv, shared, sem, sem2, *, wpn, npad):
    cid = lax.axis_index("c")
    sid = lax.axis_index("s")
    wid = sid * NC + cid
    base = wid * wpn

    spn = npad // NS
    stg = pltpu.async_copy(
        a_hbm.at[pl.ds(sid * spn, spn)], shared.at[pl.ds(sid * spn, spn)], sem2
    )
    pltpu.sync_copy(a_hbm.at[pl.ds(base, wpn)], own)

    def ext_body(g, carry):
        ii = lax.iota(jnp.int32, L)
        r0 = ii + g * L
        c7 = lax.broadcast(jnp.int32(7), (L,))
        idx[pl.ds(g * L, L)] = plsc.load_gather(own, [r0, c7])
        return carry

    lax.fori_loop(0, wpn // L, ext_body, 0)

    stg.wait()
    plsc.subcore_barrier()

    nchunk = wpn // GCHUNK
    descs = []
    for c in range(nchunk):
        descs.append(
            pltpu.async_copy(
                shared.at[idx.at[pl.ds(c * GCHUNK, GCHUNK)]],
                par.at[pl.ds(c * GCHUNK, GCHUNK)],
                sem,
            )
        )
    for dsc in descs:
        dsc.wait()

    def comp_body(g, acc):
        pa = _compose_group(par, own, own, g)
        return acc | pa

    acc = lax.fori_loop(
        0, wpn // L, comp_body, jnp.zeros((L,), jnp.int32)
    )
    flagv[0] = acc

    pltpu.sync_copy(own, b_hbm.at[pl.ds(base, wpn)])
    pltpu.sync_copy(flagv, flags_hbm.at[pl.ds(wid, 1)])


def _pd_step(a, npad):
    wpn = npad // NW
    mesh = plsc.VectorSubcoreMesh(
        core_axis_name="c", subcore_axis_name="s", num_cores=NC, num_subcores=NS
    )
    return pl.kernel(
        functools.partial(_pd_step_body, wpn=wpn, npad=npad),
        out_type=(
            jax.ShapeDtypeStruct((npad, 8), jnp.int32),
            jax.ShapeDtypeStruct((NW, L), jnp.int32),
        ),
        mesh=mesh,
        compiler_params=pltpu.CompilerParams(
            use_tc_tiling_on_sc=False, needs_layout_passes=False
        ),
        scratch_types=[
            pltpu.VMEM((wpn, 8), jnp.int32),
            pltpu.VMEM((wpn, 8), jnp.int32),
            pltpu.VMEM((wpn,), jnp.int32),
            pltpu.VMEM((1, L), jnp.int32),
            pltpu.VMEM_SHARED((npad, 8), jnp.int32),
            pltpu.SemaphoreType.DMA,
            pltpu.SemaphoreType.DMA,
        ],
    )(a)


def kernel(dofs, parent):
    n = dofs.shape[0]
    npad = -(-n // (NW * GCHUNK)) * (NW * GCHUNK)

    dofs4 = jnp.pad(dofs[:, :4], ((0, npad - n), (0, 0)))
    dofs_planes = dofs4.T.reshape(4, npad // 128, 128)
    planes = _tc_build(dofs_planes, npad).reshape(7, npad)

    anc = jnp.pad(parent.astype(jnp.int32), (0, npad - n))
    planes_i = lax.bitcast_convert_type(planes, jnp.int32)
    rows = jnp.concatenate([planes_i, anc[None, :]], axis=0).T

    def cond(state):
        _, cont, r = state
        return jnp.logical_and(cont, r < PD_ROUNDS)

    def body(state):
        rows_c, _, r = state
        rows_n, flags = _pd_step(rows_c, npad)
        return rows_n, jnp.any(flags != 0), r + 1

    rows = lax.while_loop(cond, body, (rows, jnp.bool_(True), 0))[0]

    return lax.bitcast_convert_type(rows[:n, 4:7], jnp.float32)

# --- scband reference (transcript-rebuilt; emitter-appended) ---
"""Pipeline reference for scband-kinematic-module-25082609008677 (READ-ONLY COPY).

The authoritative reference and input builder live on the scoring server;
editing this copy changes nothing except your own understanding.
"""

import jax, jax.numpy as jnp
import numpy as np

N = 100000
PD_ITERS = 8  # pointer-doubling iterations; covers tree depth up to 2^8, random recursive tree depth ~ e*ln(N) ~ 32


def _rx(a):
    c, s = jnp.cos(a), jnp.sin(a)
    z = jnp.zeros_like(a); o = jnp.ones_like(a)
    return jnp.stack([
        jnp.stack([o, z, z, z], -1),
        jnp.stack([z, c, -s, z], -1),
        jnp.stack([z, s, c, z], -1),
        jnp.stack([z, z, z, o], -1)], -2)


def _rz(a):
    c, s = jnp.cos(a), jnp.sin(a)
    z = jnp.zeros_like(a); o = jnp.ones_like(a)
    return jnp.stack([
        jnp.stack([c, -s, z, z], -1),
        jnp.stack([s, c, z, z], -1),
        jnp.stack([z, z, o, z], -1),
        jnp.stack([z, z, z, o], -1)], -2)


def _tx(d):
    z = jnp.zeros_like(d); o = jnp.ones_like(d)
    return jnp.stack([
        jnp.stack([o, z, z, d], -1),
        jnp.stack([z, o, z, z], -1),
        jnp.stack([z, z, o, z], -1),
        jnp.stack([z, z, z, o], -1)], -2)


def _bond_ht(dofs):
    # Bond-type DOF -> homogeneous transform: Rx(phi_p) @ Rz(theta) @ Tx(d) @ Rx(phi_c)
    phi_p = dofs[:, 0]
    theta = dofs[:, 1]
    d = dofs[:, 2]
    phi_c = dofs[:, 3]
    return _rx(phi_p) @ _rz(theta) @ _tx(d) @ _rx(phi_c)


def setup_inputs(seed: int = 0) -> dict:
    key = jax.random.key(seed)
    dofs = jax.random.normal(key, (N, 9), dtype=jnp.float32)
    # kintree parent pointers: topologically ordered, parent[i] < i (random recursive tree)
    rs = np.random.RandomState(0)
    parent = np.floor(rs.rand(N) * np.arange(N)).astype(np.int32)
    parent[0] = 0  # root is its own parent
    return {"dofs": dofs, "parent": jnp.asarray(parent)}


def reference(dofs, parent):
    # 1) per-node local homogeneous transforms from internal coordinates (natm x 9 -> natm x 4 x 4)
    T = _bond_ht(dofs)
    # root frame is the global origin (identity)
    T = T.at[0].set(jnp.eye(4, dtype=T.dtype))
    # 2) generational segmented scan over the kintree via parallel pointer doubling:
    #    T_global[i] = T_global[parent[i]] @ T_local[i]
    anc = parent
    for _ in range(PD_ITERS):
        T = jnp.matmul(T[anc], T)  # gather parent-composed frames, compose
        anc = anc[anc]             # pointer double ancestors
    # 3) extract natm x 3 coordinates (translation component of global frames)
    coords = T[:, :3, 3]
    return coords

if __name__ == "__main__":
    import jax
    _d = setup_inputs()
    print(jax.jit(kernel)(*tuple(_d.values())))

</pallas_src>

<mosaic_0001>
#map = affine_map<(d0, d1) -> (0, 0)>
module attributes {stable_mosaic.version = 14 : i64} {
  func.func @_pd_step_body(%arg0: i32, %arg1: i32, %arg2: memref<102400x8xi32, #tpu.memory_space<hbm>>, %arg3: memref<102400x8xi32, #tpu.memory_space<hbm>>, %arg4: memref<32x16xi32, #tpu.memory_space<hbm>>, %arg5: memref<3200x8xi32, #tpu.memory_space<vmem>>, %arg6: memref<3200x8xi32, #tpu.memory_space<vmem>>, %arg7: memref<3200xi32, #tpu.memory_space<vmem>>, %arg8: memref<1x16xi32, #tpu.memory_space<vmem>>, %arg9: memref<102400x8xi32, #tpu.memory_space<vmem_shared>>, %arg10: memref<!tpu.dma_semaphore, #tpu.memory_space<semaphore_mem>>, %arg11: memref<!tpu.dma_semaphore, #tpu.memory_space<semaphore_mem>>) attributes {dimension_semantics = [#tpu.dimension_semantics<core_parallel>, #tpu.dimension_semantics<subcore_parallel>], iteration_bounds = array<i64: 2, 16>, scalar_prefetch = 0 : i64, scratch_operands = 7 : i64, tpu.core_type = #tpu.core_type<sc_vector_subcore>, window_params = [{transform_indices = #map}, {transform_indices = #map}, {transform_indices = #map}]} {
    %mul3A = arith.constant 2 : i32
    %mul3A_0 = arith.muli %arg1, %mul3A : i32
    %add3A = arith.addi %mul3A_0, %arg0 : i32
    %mul3A_1 = arith.constant 3200 : i32
    %mul3A_2 = arith.muli %add3A, %mul3A_1 : i32
    %mul3A_3 = arith.constant 6400 : i32
    %mul3A_4 = arith.muli %arg1, %mul3A_3 : i32
    %mul3A_5 = arith.constant 6400 : i32
    %mul3A_6 = arith.muli %arg1, %mul3A_5 : i32
    %dma_start3A = arith.constant 0 : i32
    %dma_start3A_7 = tpu.memref_slice %arg9[%mul3A_6, %dma_start3A] : memref<102400x8xi32, #tpu.memory_space<vmem_shared>> -> memref<6400x8xi32, #tpu.memory_space<vmem_shared>>
    %dma_start3A_8 = arith.constant 0 : i32
    %dma_start3A_9 = tpu.memref_slice %arg2[%mul3A_4, %dma_start3A_8] : memref<102400x8xi32, #tpu.memory_space<hbm>> -> memref<6400x8xi32, #tpu.memory_space<hbm>>
    tpu.enqueue_dma source(%dma_start3A_9 : memref<6400x8xi32, #tpu.memory_space<hbm>>) target(%dma_start3A_7 : memref<6400x8xi32, #tpu.memory_space<vmem_shared>>) target_semaphore(%arg11 : memref<!tpu.dma_semaphore, #tpu.memory_space<semaphore_mem>>)
    "tpu.region"() ({
      %run_scoped3A = tpu.sem_alloc : memref<!tpu.dma_semaphore, #tpu.memory_space<semaphore_mem>>
      %dma_start3A_428 = arith.constant 0 : i32
      %dma_start3A_429 = tpu.memref_slice %arg2[%mul3A_2, %dma_start3A_428] : memref<102400x8xi32, #tpu.memory_space<hbm>> -> memref<3200x8xi32, #tpu.memory_space<hbm>>
      %dma_start3A_430 = arith.constant 0 : i32
      %dma_start3A_431 = tpu.memref_slice %arg2[%mul3A_2, %dma_start3A_430] : memref<102400x8xi32, #tpu.memory_space<hbm>> -> memref<3200x8xi32, #tpu.memory_space<hbm>>
      tpu.enqueue_dma source(%dma_start3A_431 : memref<3200x8xi32, #tpu.memory_space<hbm>>) target(%arg5 : memref<3200x8xi32, #tpu.memory_space<vmem>>) target_semaphore(%run_scoped3A : memref<!tpu.dma_semaphore, #tpu.memory_space<semaphore_mem>>)
      %dma_wait3A_432 = arith.constant 0 : i32
      %dma_wait3A_433 = tpu.memref_slice %arg2[%mul3A_2, %dma_wait3A_432] : memref<102400x8xi32, #tpu.memory_space<hbm>> -> memref<3200x8xi32, #tpu.memory_space<hbm>>
      %dma_wait3A_434 = arith.constant 0 : i32
      %dma_wait3A_435 = tpu.memref_slice %arg2[%mul3A_2, %dma_wait3A_434] : memref<102400x8xi32, #tpu.memory_space<hbm>> -> memref<3200x8xi32, #tpu.memory_space<hbm>>
      tpu.wait_dma2 semaphore(%run_scoped3A : memref<!tpu.dma_semaphore, #tpu.memory_space<semaphore_mem>>) src(%dma_wait3A_435 : memref<3200x8xi32, #tpu.memory_space<hbm>>) dst(%arg5 : memref<3200x8xi32, #tpu.memory_space<vmem>>)
      tpu.yield
    }) : () -> ()
    %scan3A = arith.constant 0 : i32
    %scan3A_10 = arith.constant 0 : i32
    %scan3A_11 = arith.constant 200 : i32
    %scan3A_12 = arith.addi %scan3A_10, %scan3A_11 : i32
    %scan3A_13 = arith.constant 1 : i32
    scf.for %scan3A_428 = %scan3A_10 to %scan3A_12 step %scan3A_13  : i32 {
      %iota3A = tpu.iota {dimensions = array<i32: 0>} : vector<16xi32>
      %mul3A_429 = arith.constant 16 : i32
      %mul3A_430 = arith.muli %scan3A_428, %mul3A_429 : i32
      %add3A_431 = vector.broadcast %mul3A_430 : i32 to vector<16xi32>
      %add3A_432 = arith.addi %iota3A, %add3A_431 : vector<16xi32>
      %broadcast_in_dim3A_433 = arith.constant 7 : i32
      %broadcast_in_dim3A_434 = vector.broadcast %broadcast_in_dim3A_433 : i32 to vector<16xi32>
      %gather3A = tpu.vector_load_idx %arg5[%add3A_432, %broadcast_in_dim3A_434] : memref<3200x8xi32, #tpu.memory_space<vmem>>[vector<16xi32>, vector<16xi32>], vector<16xi32>,
      %mul3A_435 = arith.constant 16 : i32
      %mul3A_436 = arith.muli %scan3A_428, %mul3A_435 : i32
      %swap3A_437 = arith.index_cast %mul3A_436 : i32 to index
      %swap3A_438 = tpu.vector_load %arg7[%swap3A_437] {strides = array<i32>} : memref<3200xi32, #tpu.memory_space<vmem>>, vector<16xi32>,
      tpu.vector_store %arg7[%swap3A_437], %gather3A {strides = array<i32>} : memref<3200xi32, #tpu.memory_space<vmem>>, vector<16xi32>,
    }
    %scan3A_14 = arith.constant 200 : i32
    %dma_wait3A = arith.constant 0 : i32
    %dma_wait3A_15 = tpu.memref_slice %arg9[%mul3A_6, %dma_wait3A] : memref<102400x8xi32, #tpu.memory_space<vmem_shared>> -> memref<6400x8xi32, #tpu.memory_space<vmem_shared>>
    %dma_wait3A_16 = arith.constant 0 : i32
    %dma_wait3A_17 = tpu.memref_slice %arg2[%mul3A_4, %dma_wait3A_16] : memref<102400x8xi32, #tpu.memory_space<hbm>> -> memref<6400x8xi32, #tpu.memory_space<hbm>>
    tpu.wait_dma2 semaphore(%arg11 : memref<!tpu.dma_semaphore, #tpu.memory_space<semaphore_mem>>) src(%dma_wait3A_17 : memref<6400x8xi32, #tpu.memory_space<hbm>>) dst(%dma_wait3A_15 : memref<6400x8xi32, #tpu.memory_space<vmem_shared>>)
    %barrier3A = arith.constant 0 : index
    tpu.barrier barrier_id(%barrier3A)
    %dma_start3A_18 = arith.constant 0 : i32
    %dma_start3A_19 = arith.constant 0 : i32
    %dma_start3A_20 = tpu.memref_slice %arg6[%dma_start3A_18, %dma_start3A_19] : memref<3200x8xi32, #tpu.memory_space<vmem>> -> memref<128x8xi32, #tpu.memory_space<vmem>>
    %dma_start3A_21 = arith.constant 0 : i32
    %dma_start3A_22 = tpu.memref_slice %arg7[%dma_start3A_21] : memref<3200xi32, #tpu.memory_space<vmem>> -> memref<128xi32, #tpu.memory_space<vmem>>
    %dma_start3A_23 = arith.constant 0 : i32
    %dma_start3A_24 = arith.constant 0 : i32
    %dma_start3A_25 = tpu.memref_slice %arg9[%dma_start3A_23, %dma_start3A_24] : memref<102400x8xi32, #tpu.memory_space<vmem_shared>> -> memref<102400x8xi32, #tpu.memory_space<vmem_shared>>
    tpu.enqueue_indirect_dma source(%dma_start3A_25 : memref<102400x8xi32, #tpu.memory_space<vmem_shared>>) target(%dma_start3A_20 : memref<128x8xi32, #tpu.memory_space<vmem>>) offsets(%dma_start3A_22 : memref<128xi32, #tpu.memory_space<vmem>>) semaphore(%arg10 : memref<!tpu.dma_semaphore, #tpu.memory_space<semaphore_mem>>)
    %dma_start3A_26 = arith.constant 128 : i32
    %dma_start3A_27 = arith.constant 0 : i32
    %dma_start3A_28 = tpu.memref_slice %arg6[%dma_start3A_26, %dma_start3A_27] : memref<3200x8xi32, #tpu.memory_space<vmem>> -> memref<128x8xi32, #tpu.memory_space<vmem>>
    %dma_start3A_29 = arith.constant 128 : i32
    %dma_start3A_30 = tpu.memref_slice %arg7[%dma_start3A_29] : memref<3200xi32, #tpu.memory_space<vmem>> -> memref<128xi32, #tpu.memory_space<vmem>>
    %dma_start3A_31 = arith.constant 0 : i32
    %dma_start3A_32 = arith.constant 0 : i32
    %dma_start3A_33 = tpu.memref_slice %arg9[%dma_start3A_31, %dma_start3A_32] : memref<102400x8xi32, #tpu.memory_space<vmem_shared>> -> memref<102400x8xi32, #tpu.memory_space<vmem_shared>>
    tpu.enqueue_indirect_dma source(%dma_start3A_33 : memref<102400x8xi32, #tpu.memory_space<vmem_shared>>) target(%dma_start3A_28 : memref<128x8xi32, #tpu.memory_space<vmem>>) offsets(%dma_start3A_30 : memref<128xi32, #tpu.memory_space<vmem>>) semaphore(%arg10 : memref<!tpu.dma_semaphore, #tpu.memory_space<semaphore_mem>>)
    %dma_start3A_34 = arith.constant 256 : i32
    %dma_start3A_35 = arith.constant 0 : i32
    %dma_start3A_36 = tpu.memref_slice %arg6[%dma_start3A_34, %dma_start3A_35] : memref<3200x8xi32, #tpu.memory_space<vmem>> -> memref<128x8xi32, #tpu.memory_space<vmem>>
    %dma_start3A_37 = arith.constant 256 : i32
    %dma_start3A_38 = tpu.memref_slice %arg7[%dma_start3A_37] : memref<3200xi32, #tpu.memory_space<vmem>> -> memref<128xi32, #tpu.memory_space<vmem>>
    %dma_start3A_39 = arith.constant 0 : i32
    %dma_start3A_40 = arith.constant 0 : i32
    %dma_start3A_41 = tpu.memref_slice %arg9[%dma_start3A_39, %dma_start3A_40] : memref<102400x8xi32, #tpu.memory_space<vmem_shared>> -> memref<102400x8xi32, #tpu.memory_space<vmem_shared>>
    tpu.enqueue_indirect_dma source(%dma_start3A_41 : memref<102400x8xi32, #tpu.memory_space<vmem_shared>>) target(%dma_start3A_36 : memref<128x8xi32, #tpu.memory_space<vmem>>) offsets(%dma_start3A_38 : memref<128xi32, #tpu.memory_space<vmem>>) semaphore(%arg10 : memref<!tpu.dma_semaphore, #tpu.memory_space<semaphore_mem>>)
    %dma_start3A_42 = arith.constant 384 : i32
    %dma_start3A_43 = arith.constant 0 : i32
    %dma_start3A_44 = tpu.memref_slice %arg6[%dma_start3A_42, %dma_start3A_43] : memref<3200x8xi32, #tpu.memory_space<vmem>> -> memref<128x8xi32, #tpu.memory_space<vmem>>
    %dma_start3A_45 = arith.constant 384 : i32
    %dma_start3A_46 = tpu.memref_slice %arg7[%dma_start3A_45] : memref<3200xi32, #tpu.memory_space<vmem>> -> memref<128xi32, #tpu.memory_space<vmem>>
    %dma_start3A_47 = arith.constant 0 : i32
    %dma_start3A_48 = arith.constant 0 : i32
    %dma_start3A_49 = tpu.memref_slice %arg9[%dma_start3A_47, %dma_start3A_48] : memref<102400x8xi32, #tpu.memory_space<vmem_shared>> -> memref<102400x8xi32, #tpu.memory_space<vmem_shared>>
    tpu.enqueue_indirect_dma source(%dma_start3A_49 : memref<102400x8xi32, #tpu.memory_space<vmem_shared>>) target(%dma_start3A_44 : memref<128x8xi32, #tpu.memory_space<vmem>>) offsets(%dma_start3A_46 : memref<128xi32, #tpu.memory_space<vmem>>) semaphore(%arg10 : memref<!tpu.dma_semaphore, #tpu.memory_space<semaphore_mem>>)
    %dma_start3A_50 = arith.constant 512 : i32
    %dma_start3A_51 = arith.constant 0 : i32
    %dma_start3A_52 = tpu.memref_slice %arg6[%dma_start3A_50, %dma_start3A_51] : memref<3200x8xi32, #tpu.memory_space<vmem>> -> memref<128x8xi32, #tpu.memory_space<vmem>>
    %dma_start3A_53 = arith.constant 512 : i32
    %dma_start3A_54 = tpu.memref_slice %arg7[%dma_start3A_53] : memref<3200xi32, #tpu.memory_space<vmem>> -> memref<128xi32, #tpu.memory_space<vmem>>
    %dma_start3A_55 = arith.constant 0 : i32
    %dma_start3A_56 = arith.constant 0 : i32
    %dma_start3A_57 = tpu.memref_slice %arg9[%dma_start3A_55, %dma_start3A_56] : memref<102400x8xi32, #tpu.memory_space<vmem_shared>> -> memref<102400x8xi32, #tpu.memory_space<vmem_shared>>
    tpu.enqueue_indirect_dma source(%dma_start3A_57 : memref<102400x8xi32, #tpu.memory_space<vmem_shared>>) target(%dma_start3A_52 : memref<128x8xi32, #tpu.memory_space<vmem>>) offsets(%dma_start3A_54 : memref<128xi32, #tpu.memory_space<vmem>>) semaphore(%arg10 : memref<!tpu.dma_semaphore, #tpu.memory_space<semaphore_mem>>)
    %dma_start3A_58 = arith.constant 640 : i32
    %dma_start3A_59 = arith.constant 0 : i32
    %dma_start3A_60 = tpu.memref_slice %arg6[%dma_start3A_58, %dma_start3A_59] : memref<3200x8xi32, #tpu.memory_space<vmem>> -> memref<128x8xi32, #tpu.memory_space<vmem>>
    %dma_start3A_61 = arith.constant 640 : i32
    %dma_start3A_62 = tpu.memref_slice %arg7[%dma_start3A_61] : memref<3200xi32, #tpu.memory_space<vmem>> -> memref<128xi32, #tpu.memory_space<vmem>>
    %dma_start3A_63 = arith.constant 0 : i32
    %dma_start3A_64 = arith.constant 0 : i32
    %dma_start3A_65 = tpu.memref_slice %arg9[%dma_start3A_63, %dma_start3A_64] : memref<102400x8xi32, #tpu.memory_space<vmem_shared>> -> memref<102400x8xi32, #tpu.memory_space<vmem_shared>>
    tpu.enqueue_indirect_dma source(%dma_start3A_65 : memref<102400x8xi32, #tpu.memory_space<vmem_shared>>) target(%dma_start3A_60 : memref<128x8xi32, #tpu.memory_space<vmem>>) offsets(%dma_start3A_62 : memref<128xi32, #tpu.memory_space<vmem>>) semaphore(%arg10 : memref<!tpu.dma_semaphore, #tpu.memory_space<semaphore_mem>>)
    %dma_start3A_66 = arith.constant 768 : i32
    %dma_start3A_67 = arith.constant 0 : i32
    %dma_start3A_68 = tpu.memref_slice %arg6[%dma_start3A_66, %dma_start3A_67] : memref<3200x8xi32, #tpu.memory_space<vmem>> -> memref<128x8xi32, #tpu.memory_space<vmem>>
    %dma_start3A_69 = arith.constant 768 : i32
    %dma_start3A_70 = tpu.memref_slice %arg7[%dma_start3A_69] : memref<3200xi32, #tpu.memory_space<vmem>> -> memref<128xi32, #tpu.memory_space<vmem>>
    %dma_start3A_71 = arith.constant 0 : i32
    %dma_start3A_72 = arith.constant 0 : i32
    %dma_start3A_73 = tpu.memref_slice %arg9[%dma_start3A_71, %dma_start3A_72] : memref<102400x8xi32, #tpu.memory_space<vmem_shared>> -> memref<102400x8xi32, #tpu.memory_space<vmem_shared>>
    tpu.enqueue_indirect_dma source(%dma_start3A_73 : memref<102400x8xi32, #tpu.memory_space<vmem_shared>>) target(%dma_start3A_68 : memref<128x8xi32, #tpu.memory_space<vmem>>) offsets(%dma_start3A_70 : memref<128xi32, #tpu.memory_space<vmem>>) semaphore(%arg10 : memref<!tpu.dma_semaphore, #tpu.memory_space<semaphore_mem>>)
    %dma_start3A_74 = arith.constant 896 : i32
    %dma_start3A_75 = arith.constant 0 : i32
    %dma_start3A_76 = tpu.memref_slice %arg6[%dma_start3A_74, %dma_start3A_75] : memref<3200x8xi32, #tpu.memory_space<vmem>> -> memref<128x8xi32, #tpu.memory_space<vmem>>
    %dma_start3A_77 = arith.constant 896 : i32
    %dma_start3A_78 = tpu.memref_slice %arg7[%dma_start3A_77] : memref<3200xi32, #tpu.memory_space<vmem>> -> memref<128xi32, #tpu.memory_space<vmem>>
    %dma_start3A_79 = arith.constant 0 : i32
    %dma_start3A_80 = arith.constant 0 : i32
    %dma_start3A_81 = tpu.memref_slice %arg9[%dma_start3A_79, %dma_start3A_80] : memref<102400x8xi32, #tpu.memory_space<vmem_shared>> -> memref<102400x8xi32, #tpu.memory_space<vmem_shared>>
    tpu.enqueue_indirect_dma source(%dma_start3A_81 : memref<102400x8xi32, #tpu.memory_space<vmem_shared>>) target(%dma_start3A_76 : memref<128x8xi32, #tpu.memory_space<vmem>>) offsets(%dma_start3A_78 : memref<128xi32, #tpu.memory_space<vmem>>) semaphore(%arg10 : memref<!tpu.dma_semaphore, #tpu.memory_space<semaphore_mem>>)
    %dma_start3A_82 = arith.constant 1024 : i32
    %dma_start3A_83 = arith.constant 0 : i32
    %dma_start3A_84 = tpu.memref_slice %arg6[%dma_start3A_82, %dma_start3A_83] : memref<3200x8xi32, #tpu.memory_space<vmem>> -> memref<128x8xi32, #tpu.memory_space<vmem>>
    %dma_start3A_85 = arith.constant 1024 : i32
    %dma_start3A_86 = tpu.memref_slice %arg7[%dma_start3A_85] : memref<3200xi32, #tpu.memory_space<vmem>> -> memref<128xi32, #tpu.memory_space<vmem>>
    %dma_start3A_87 = arith.constant 0 : i32
    %dma_start3A_88 = arith.constant 0 : i32
    %dma_start3A_89 = tpu.memref_slice %arg9[%dma_start3A_87, %dma_start3A_88] : memref<102400x8xi32, #tpu.memory_space<vmem_shared>> -> memref<102400x8xi32, #tpu.memory_space<vmem_shared>>
    tpu.enqueue_indirect_dma source(%dma_start3A_89 : memref<102400x8xi32, #tpu.memory_space<vmem_shared>>) target(%dma_start3A_84 : memref<128x8xi32, #tpu.memory_space<vmem>>) offsets(%dma_start3A_86 : memref<128xi32, #tpu.memory_space<vmem>>) semaphore(%arg10 : memref<!tpu.dma_semaphore, #tpu.memory_space<semaphore_mem>>)
    %dma_start3A_90 = arith.constant 1152 : i32
    %dma_start3A_91 = arith.constant 0 : i32
    %dma_start3A_92 = tpu.memref_slice %arg6[%dma_start3A_90, %dma_start3A_91] : memref<3200x8xi32, #tpu.memory_space<vmem>> -> memref<128x8xi32, #tpu.memory_space<vmem>>
    %dma_start3A_93 = arith.constant 1152 : i32
    %dma_start3A_94 = tpu.memref_slice %arg7[%dma_start3A_93] : memref<3200xi32, #tpu.memory_space<vmem>> -> memref<128xi32, #tpu.memory_space<vmem>>
    %dma_start3A_95 = arith.constant 0 : i32
    %dma_start3A_96 = arith.constant 0 : i32
    %dma_start3A_97 = tpu.memref_slice %arg9[%dma_start3A_95, %dma_start3A_96] : memref<102400x8xi32, #tpu.memory_space<vmem_shared>> -> memref<102400x8xi32, #tpu.memory_space<vmem_shared>>
    tpu.enqueue_indirect_dma source(%dma_start3A_97 : memref<102400x8xi32, #tpu.memory_space<vmem_shared>>) target(%dma_start3A_92 : memref<128x8xi32, #tpu.memory_space<vmem>>) offsets(%dma_start3A_94 : memref<128xi32, #tpu.memory_space<vmem>>) semaphore(%arg10 : memref<!tpu.dma_semaphore, #tpu.memory_space<semaphore_mem>>)
    %dma_start3A_98 = arith.constant 1280 : i32
    %dma_start3A_99 = arith.constant 0 : i32
    %dma_start3A_100 = tpu.memref_slice %arg6[%dma_start3A_98, %dma_start3A_99] : memref<3200x8xi32, #tpu.memory_space<vmem>> -> memref<128x8xi32, #tpu.memory_space<vmem>>
    %dma_start3A_101 = arith.constant 1280 : i32
    %dma_start3A_102 = tpu.memref_slice %arg7[%dma_start3A_101] : memref<3200xi32, #tpu.memory_space<vmem>> -> memref<128xi32, #tpu.memory_space<vmem>>
    %dma_start3A_103 = arith.constant 0 : i32
    %dma_start3A_104 = arith.constant 0 : i32
    %dma_start3A_105 = tpu.memref_slice %arg9[%dma_start3A_103, %dma_start3A_104] : memref<102400x8xi32, #tpu.memory_space<vmem_shared>> -> memref<102400x8xi32, #tpu.memory_space<vmem_shared>>
    tpu.enqueue_indirect_dma source(%dma_start3A_105 : memref<102400x8xi32, #tpu.memory_space<vmem_shared>>) target(%dma_start3A_100 : memref<128x8xi32, #tpu.memory_space<vmem>>) offsets(%dma_start3A_102 : memref<128xi32, #tpu.memory_space<vmem>>) semaphore(%arg10 : memref<!tpu.dma_semaphore, #tpu.memory_space<semaphore_mem>>)
    %dma_start3A_106 = arith.constant 1408 : i32
    %dma_start3A_107 = arith.constant 0 : i32
    %dma_start3A_108 = tpu.memref_slice %arg6[%dma_start3A_106, %dma_start3A_107] : memref<3200x8xi32, #tpu.memory_space<vmem>> -> memref<128x8xi32, #tpu.memory_space<vmem>>
    %dma_start3A_109 = arith.constant 1408 : i32
    %dma_start3A_110 = tpu.memref_slice %arg7[%dma_start3A_109] : memref<3200xi32, #tpu.memory_space<vmem>> -> memref<128xi32, #tpu.memory_space<vmem>>
    %dma_start3A_111 = arith.constant 0 : i32
    %dma_start3A_112 = arith.constant 0 : i32
    %dma_start3A_113 = tpu.memref_slice %arg9[%dma_start3A_111, %dma_start3A_112] : memref<102400x8xi32, #tpu.memory_space<vmem_shared>> -> memref<102400x8xi32, #tpu.memory_space<vmem_shared>>
    tpu.enqueue_indirect_dma source(%dma_start3A_113 : memref<102400x8xi32, #tpu.memory_space<vmem_shared>>) target(%dma_start3A_108 : memref<128x8xi32, #tpu.memory_space<vmem>>) offsets(%dma_start3A_110 : memref<128xi32, #tpu.memory_space<vmem>>) semaphore(%arg10 : memref<!tpu.dma_semaphore, #tpu.memory_space<semaphore_mem>>)
    %dma_start3A_114 = arith.constant 1536 : i32
    %dma_start3A_115 = arith.constant 0 : i32
    %dma_start3A_116 = tpu.memref_slice %arg6[%dma_start3A_114, %dma_start3A_115] : memref<3200x8xi32, #tpu.memory_space<vmem>> -> memref<128x8xi32, #tpu.memory_space<vmem>>
    %dma_start3A_117 = arith.constant 1536 : i32
    %dma_start3A_118 = tpu.memref_slice %arg7[%dma_start3A_117] : memref<3200xi32, #tpu.memory_space<vmem>> -> memref<128xi32, #tpu.memory_space<vmem>>
    %dma_start3A_119 = arith.constant 0 : i32
    %dma_start3A_120 = arith.constant 0 : i32
    %dma_start3A_121 = tpu.memref_slice %arg9[%dma_start3A_119, %dma_start3A_120] : memref<102400x8xi32, #tpu.memory_space<vmem_shared>> -> memref<102400x8xi32, #tpu.memory_space<vmem_shared>>
    tpu.enqueue_indirect_dma source(%dma_start3A_121 : memref<102400x8xi32, #tpu.memory_space<vmem_shared>>) target(%dma_start3A_116 : memref<128x8xi32, #tpu.memory_space<vmem>>) offsets(%dma_start3A_118 : memref<128xi32, #tpu.memory_space<vmem>>) semaphore(%arg10 : memref<!tpu.dma_semaphore, #tpu.memory_space<semaphore_mem>>)
    %dma_start3A_122 = arith.constant 1664 : i32
    %dma_start3A_123 = arith.constant 0 : i32
    %dma_start3A_124 = tpu.memref_slice %arg6[%dma_start3A_122, %dma_start3A_123] : memref<3200x8xi32, #tpu.memory_space<vmem>> -> memref<128x8xi32, #tpu.memory_space<vmem>>
    %dma_start3A_125 = arith.constant 1664 : i32
    %dma_start3A_126 = tpu.memref_slice %arg7[%dma_start3A_125] : memref<3200xi32, #tpu.memory_space<vmem>> -> memref<128xi32, #tpu.memory_space<vmem>>
    %dma_start3A_127 = arith.constant 0 : i32
    %dma_start3A_128 = arith.constant 0 : i32
    %dma_start3A_129 = tpu.memref_slice %arg9[%dma_start3A_127, %dma_start3A_128] : memref<102400x8xi32, #tpu.memory_space<vmem_shared>> -> memref<102400x8xi32, #tpu.memory_space<vmem_shared>>
    tpu.enqueue_indirect_dma source(%dma_start3A_129 : memref<102400x8xi32, #tpu.memory_space<vmem_shared>>) target(%dma_start3A_124 : memref<128x8xi32, #tpu.memory_space<vmem>>) offsets(%dma_start3A_126 : memref<128xi32, #tpu.memory_space<vmem>>) semaphore(%arg10 : memref<!tpu.dma_semaphore, #tpu.memory_space<semaphore_mem>>)
    %dma_start3A_130 = arith.constant 1792 : i32
    %dma_start3A_131 = arith.constant 0 : i32
    %dma_start3A_132 = tpu.memref_slice %arg6[%dma_start3A_130, %dma_start3A_131] : memref<3200x8xi32, #tpu.memory_space<vmem>> -> memref<128x8xi32, #tpu.memory_space<vmem>>
    %dma_start3A_133 = arith.constant 1792 : i32
    %dma_start3A_134 = tpu.memref_slice %arg7[%dma_start3A_133] : memref<3200xi32, #tpu.memory_space<vmem>> -> memref<128xi32, #tpu.memory_space<vmem>>
    %dma_start3A_135 = arith.constant 0 : i32
    %dma_start3A_136 = arith.constant 0 : i32
    %dma_start3A_137 = tpu.memref_slice %arg9[%dma_start3A_135, %dma_start3A_136] : memref<102400x8xi32, #tpu.memory_space<vmem_shared>> -> memref<102400x8xi32, #tpu.memory_space<vmem_shared>>
    tpu.enqueue_indirect_dma source(%dma_start3A_137 : memref<102400x8xi32, #tpu.memory_space<vmem_shared>>) target(%dma_start3A_132 : memref<128x8xi32, #tpu.memory_space<vmem>>) offsets(%dma_start3A_134 : memref<128xi32, #tpu.memory_space<vmem>>) semaphore(%arg10 : memref<!tpu.dma_semaphore, #tpu.memory_space<semaphore_mem>>)
    %dma_start3A_138 = arith.constant 1920 : i32
    %dma_start3A_139 = arith.constant 0 : i32
    %dma_start3A_140 = tpu.memref_slice %arg6[%dma_start3A_138, %dma_start3A_139] : memref<3200x8xi32, #tpu.memory_space<vmem>> -> memref<128x8xi32, #tpu.memory_space<vmem>>
    %dma_start3A_141 = arith.constant 1920 : i32
    %dma_start3A_142 = tpu.memref_slice %arg7[%dma_start3A_141] : memref<3200xi32, #tpu.memory_space<vmem>> -> memref<128xi32, #tpu.memory_space<vmem>>
    %dma_start3A_143 = arith.constant 0 : i32
    %dma_start3A_144 = arith.constant 0 : i32
    %dma_start3A_145 = tpu.memref_slice %arg9[%dma_start3A_143, %dma_start3A_144] : memref<102400x8xi32, #tpu.memory_space<vmem_shared>> -> memref<102400x8xi32, #tpu.memory_space<vmem_shared>>
    tpu.enqueue_indirect_dma source(%dma_start3A_145 : memref<102400x8xi32, #tpu.memory_space<vmem_shared>>) target(%dma_start3A_140 : memref<128x8xi32, #tpu.memory_space<vmem>>) offsets(%dma_start3A_142 : memref<128xi32, #tpu.memory_space<vmem>>) semaphore(%arg10 : memref<!tpu.dma_semaphore, #tpu.memory_space<semaphore_mem>>)
    %dma_start3A_146 = arith.constant 2048 : i32
    %dma_start3A_147 = arith.constant 0 : i32
    %dma_start3A_148 = tpu.memref_slice %arg6[%dma_start3A_146, %dma_start3A_147] : memref<3200x8xi32, #tpu.memory_space<vmem>> -> memref<128x8xi32, #tpu.memory_space<vmem>>
    %dma_start3A_149 = arith.constant 2048 : i32
    %dma_start3A_150 = tpu.memref_slice %arg7[%dma_start3A_149] : memref<3200xi32, #tpu.memory_space<vmem>> -> memref<128xi32, #tpu.memory_space<vmem>>
    %dma_start3A_151 = arith.constant 0 : i32
    %dma_start3A_152 = arith.constant 0 : i32
    %dma_start3A_153 = tpu.memref_slice %arg9[%dma_start3A_151, %dma_start3A_152] : memref<102400x8xi32, #tpu.memory_space<vmem_shared>> -> memref<102400x8xi32, #tpu.memory_space<vmem_shared>>
    tpu.enqueue_indirect_dma source(%dma_start3A_153 : memref<102400x8xi32, #tpu.memory_space<vmem_shared>>) target(%dma_start3A_148 : memref<128x8xi32, #tpu.memory_space<vmem>>) offsets(%dma_start3A_150 : memref<128xi32, #tpu.memory_space<vmem>>) semaphore(%arg10 : memref<!tpu.dma_semaphore, #tpu.memory_space<semaphore_mem>>)
    %dma_start3A_154 = arith.constant 2176 : i32
    %dma_start3A_155 = arith.constant 0 : i32
    %dma_start3A_156 = tpu.memref_slice %arg6[%dma_start3A_154, %dma_start3A_155] : memref<3200x8xi32, #tpu.memory_space<vmem>> -> memref<128x8xi32, #tpu.memory_space<vmem>>
    %dma_start3A_157 = arith.constant 2176 : i32
    %dma_start3A_158 = tpu.memref_slice %arg7[%dma_start3A_157] : memref<3200xi32, #tpu.memory_space<vmem>> -> memref<128xi32, #tpu.memory_space<vmem>>
    %dma_start3A_159 = arith.constant 0 : i32
    %dma_start3A_160 = arith.constant 0 : i32
    %dma_start3A_161 = tpu.memref_slice %arg9[%dma_start3A_159, %dma_start3A_160] : memref<102400x8xi32, #tpu.memory_space<vmem_shared>> -> memref<102400x8xi32, #tpu.memory_space<vmem_shared>>
    tpu.enqueue_indirect_dma source(%dma_start3A_161 : memref<102400x8xi32, #tpu.memory_space<vmem_shared>>) target(%dma_start3A_156 : memref<128x8xi32, #tpu.memory_space<vmem>>) offsets(%dma_start3A_158 : memref<128xi32, #tpu.memory_space<vmem>>) semaphore(%arg10 : memref<!tpu.dma_semaphore, #tpu.memory_space<semaphore_mem>>)
    %dma_start3A_162 = arith.constant 2304 : i32
    %dma_start3A_163 = arith.constant 0 : i32
    %dma_start3A_164 = tpu.memref_slice %arg6[%dma_start3A_162, %dma_start3A_163] : memref<3200x8xi32, #tpu.memory_space<vmem>> -> memref<128x8xi32, #tpu.memory_space<vmem>>
    %dma_start3A_165 = arith.constant 2304 : i32
    %dma_start3A_166 = tpu.memref_slice %arg7[%dma_start3A_165] : memref<3200xi32, #tpu.memory_space<vmem>> -> memref<128xi32, #tpu.memory_space<vmem>>
    %dma_start3A_167 = arith.constant 0 : i32
    %dma_start3A_168 = arith.constant 0 : i32
    %dma_start3A_169 = tpu.memref_slice %arg9[%dma_start3A_167, %dma_start3A_168] : memref<102400x8xi32, #tpu.memory_space<vmem_shared>> -> memref<102400x8xi32, #tpu.memory_space<vmem_shared>>
    tpu.enqueue_indirect_dma source(%dma_start3A_169 : memref<102400x8xi32, #tpu.memory_space<vmem_shared>>) target(%dma_start3A_164 : memref<128x8xi32, #tpu.memory_space<vmem>>) offsets(%dma_start3A_166 : memref<128xi32, #tpu.memory_space<vmem>>) semaphore(%arg10 : memref<!tpu.dma_semaphore, #tpu.memory_space<semaphore_mem>>)
    %dma_start3A_170 = arith.constant 2432 : i32
    %dma_start3A_171 = arith.constant 0 : i32
    %dma_start3A_172 = tpu.memref_slice %arg6[%dma_start3A_170, %dma_start3A_171] : memref<3200x8xi32, #tpu.memory_space<vmem>> -> memref<128x8xi32, #tpu.memory_space<vmem>>
    %dma_start3A_173 = arith.constant 2432 : i32
    %dma_start3A_174 = tpu.memref_slice %arg7[%dma_start3A_173] : memref<3200xi32, #tpu.memory_space<vmem>> -> memref<128xi32, #tpu.memory_space<vmem>>
    %dma_start3A_175 = arith.constant 0 : i32
    %dma_start3A_176 = arith.constant 0 : i32
    %dma_start3A_177 = tpu.memref_slice %arg9[%dma_start3A_175, %dma_start3A_176] : memref<102400x8xi32, #tpu.memory_space<vmem_shared>> -> memref<102400x8xi32, #tpu.memory_space<vmem_shared>>
    tpu.enqueue_indirect_dma source(%dma_start3A_177 : memref<102400x8xi32, #tpu.memory_space<vmem_shared>>) target(%dma_start3A_172 : memref<128x8xi32, #tpu.memory_space<vmem>>) offsets(%dma_start3A_174 : memref<128xi32, #tpu.memory_space<vmem>>) semaphore(%arg10 : memref<!tpu.dma_semaphore, #tpu.memory_space<semaphore_mem>>)
    %dma_start3A_178 = arith.constant 2560 : i32
    %dma_start3A_179 = arith.constant 0 : i32
    %dma_start3A_180 = tpu.memref_slice %arg6[%dma_start3A_178, %dma_start3A_179] : memref<3200x8xi32, #tpu.memory_space<vmem>> -> memref<128x8xi32, #tpu.memory_space<vmem>>
    %dma_start3A_181 = arith.constant 2560 : i32
    %dma_start3A_182 = tpu.memref_slice %arg7[%dma_start3A_181] : memref<3200xi32, #tpu.memory_space<vmem>> -> memref<128xi32, #tpu.memory_space<vmem>>
    %dma_start3A_183 = arith.constant 0 : i32
    %dma_start3A_184 = arith.constant 0 : i32
    %dma_start3A_185 = tpu.memref_slice %arg9[%dma_start3A_183, %dma_start3A_184] : memref<102400x8xi32, #tpu.memory_space<vmem_shared>> -> memref<102400x8xi32, #tpu.memory_space<vmem_shared>>
    tpu.enqueue_indirect_dma source(%dma_start3A_185 : memref<102400x8xi32, #tpu.memory_space<vmem_shared>>) target(%dma_start3A_180 : memref<128x8xi32, #tpu.memory_space<vmem>>) offsets(%dma_start3A_182 : memref<128xi32, #tpu.memory_space<vmem>>) semaphore(%arg10 : memref<!tpu.dma_semaphore, #tpu.memory_space<semaphore_mem>>)
    %dma_start3A_186 = arith.constant 2688 : i32
    %dma_start3A_187 = arith.constant 0 : i32
    %dma_start3A_188 = tpu.memref_slice %arg6[%dma_start3A_186, %dma_start3A_187] : memref<3200x8xi32, #tpu.memory_space<vmem>> -> memref<128x8xi32, #tpu.memory_space<vmem>>
    %dma_start3A_189 = arith.constant 2688 : i32
    %dma_start3A_190 = tpu.memref_slice %arg7[%dma_start3A_189] : memref<3200xi32, #tpu.memory_space<vmem>> -> memref<128xi32, #tpu.memory_space<vmem>>
    %dma_start3A_191 = arith.constant 0 : i32
    %dma_start3A_192 = arith.constant 0 : i32
    %dma_start3A_193 = tpu.memref_slice %arg9[%dma_start3A_191, %dma_start3A_192] : memref<102400x8xi32, #tpu.memory_space<vmem_shared>> -> memref<102400x8xi32, #tpu.memory_space<vmem_shared>>
    tpu.enqueue_indirect_dma source(%dma_start3A_193 : memref<102400x8xi32, #tpu.memory_space<vmem_shared>>) target(%dma_start3A_188 : memref<128x8xi32, #tpu.memory_space<vmem>>) offsets(%dma_start3A_190 : memref<128xi32, #tpu.memory_space<vmem>>) semaphore(%arg10 : memref<!tpu.dma_semaphore, #tpu.memory_space<semaphore_mem>>)
    %dma_start3A_194 = arith.constant 2816 : i32
    %dma_start3A_195 = arith.constant 0 : i32
    %dma_start3A_196 = tpu.memref_slice %arg6[%dma_start3A_194, %dma_start3A_195] : memref<3200x8xi32, #tpu.memory_space<vmem>> -> memref<128x8xi32, #tpu.memory_space<vmem>>
    %dma_start3A_197 = arith.constant 2816 : i32
    %dma_start3A_198 = tpu.memref_slice %arg7[%dma_start3A_197] : memref<3200xi32, #tpu.memory_space<vmem>> -> memref<128xi32, #tpu.memory_space<vmem>>
    %dma_start3A_199 = arith.constant 0 : i32
    %dma_start3A_200 = arith.constant 0 : i32
    %dma_start3A_201 = tpu.memref_slice %arg9[%dma_start3A_199, %dma_start3A_200] : memref<102400x8xi32, #tpu.memory_space<vmem_shared>> -> memref<102400x8xi32, #tpu.memory_space<vmem_shared>>
    tpu.enqueue_indirect_dma source(%dma_start3A_201 : memref<102400x8xi32, #tpu.memory_space<vmem_shared>>) target(%dma_start3A_196 : memref<128x8xi32, #tpu.memory_space<vmem>>) offsets(%dma_start3A_198 : memref<128xi32, #tpu.memory_space<vmem>>) semaphore(%arg10 : memref<!tpu.dma_semaphore, #tpu.memory_space<semaphore_mem>>)
    %dma_start3A_202 = arith.constant 2944 : i32
    %dma_start3A_203 = arith.constant 0 : i32
    %dma_start3A_204 = tpu.memref_slice %arg6[%dma_start3A_202, %dma_start3A_203] : memref<3200x8xi32, #tpu.memory_space<vmem>> -> memref<128x8xi32, #tpu.memory_space<vmem>>
    %dma_start3A_205 = arith.constant 2944 : i32
    %dma_start3A_206 = tpu.memref_slice %arg7[%dma_start3A_205] : memref<3200xi32, #tpu.memory_space<vmem>> -> memref<128xi32, #tpu.memory_space<vmem>>
    %dma_start3A_207 = arith.constant 0 : i32
    %dma_start3A_208 = arith.constant 0 : i32
    %dma_start3A_209 = tpu.memref_slice %arg9[%dma_start3A_207, %dma_start3A_208] : memref<102400x8xi32, #tpu.memory_space<vmem_shared>> -> memref<102400x8xi32, #tpu.memory_space<vmem_shared>>
    tpu.enqueue_indirect_dma source(%dma_start3A_209 : memref<102400x8xi32, #tpu.memory_space<vmem_shared>>) target(%dma_start3A_204 : memref<128x8xi32, #tpu.memory_space<vmem>>) offsets(%dma_start3A_206 : memref<128xi32, #tpu.memory_space<vmem>>) semaphore(%arg10 : memref<!tpu.dma_semaphore, #tpu.memory_space<semaphore_mem>>)
    %dma_start3A_210 = arith.constant 3072 : i32
    %dma_start3A_211 = arith.constant 0 : i32
    %dma_start3A_212 = tpu.memref_slice %arg6[%dma_start3A_210, %dma_start3A_211] : memref<3200x8xi32, #tpu.memory_space<vmem>> -> memref<128x8xi32, #tpu.memory_space<vmem>>
    %dma_start3A_213 = arith.constant 3072 : i32
    %dma_start3A_214 = tpu.memref_slice %arg7[%dma_start3A_213] : memref<3200xi32, #tpu.memory_space<vmem>> -> memref<128xi32, #tpu.memory_space<vmem>>
    %dma_start3A_215 = arith.constant 0 : i32
    %dma_start3A_216 = arith.constant 0 : i32
    %dma_start3A_217 = tpu.memref_slice %arg9[%dma_start3A_215, %dma_start3A_216] : memref<102400x8xi32, #tpu.memory_space<vmem_shared>> -> memref<102400x8xi32, #tpu.memory_space<vmem_shared>>
    tpu.enqueue_indirect_dma source(%dma_start3A_217 : memref<102400x8xi32, #tpu.memory_space<vmem_shared>>) target(%dma_start3A_212 : memref<128x8xi32, #tpu.memory_space<vmem>>) offsets(%dma_start3A_214 : memref<128xi32, #tpu.memory_space<vmem>>) semaphore(%arg10 : memref<!tpu.dma_semaphore, #tpu.memory_space<semaphore_mem>>)
    %dma_wait3A_218 = arith.constant 0 : i32
    %dma_wait3A_219 = arith.constant 0 : i32
    %dma_wait3A_220 = tpu.memref_slice %arg6[%dma_wait3A_218, %dma_wait3A_219] : memref<3200x8xi32, #tpu.memory_space<vmem>> -> memref<128x8xi32, #tpu.memory_space<vmem>>
    %dma_wait3A_221 = arith.constant 0 : i32
    %dma_wait3A_222 = tpu.memref_slice %arg7[%dma_wait3A_221] : memref<3200xi32, #tpu.memory_space<vmem>> -> memref<128xi32, #tpu.memory_space<vmem>>
    %dma_wait3A_223 = arith.constant 0 : i32
    %dma_wait3A_224 = arith.constant 0 : i32
    %dma_wait3A_225 = tpu.memref_slice %arg9[%dma_wait3A_223, %dma_wait3A_224] : memref<102400x8xi32, #tpu.memory_space<vmem_shared>> -> memref<102400x8xi32, #tpu.memory_space<vmem_shared>>
    tpu.wait_indirect_dma semaphore(%arg10 : memref<!tpu.dma_semaphore, #tpu.memory_space<semaphore_mem>>) src(%dma_wait3A_225 : memref<102400x8xi32, #tpu.memory_space<vmem_shared>>) dst(%dma_wait3A_220 : memref<128x8xi32, #tpu.memory_space<vmem>>)
    %dma_wait3A_226 = arith.constant 128 : i32
    %dma_wait3A_227 = arith.constant 0 : i32
    %dma_wait3A_228 = tpu.memref_slice %arg6[%dma_wait3A_226, %dma_wait3A_227] : memref<3200x8xi32, #tpu.memory_space<vmem>> -> memref<128x8xi32, #tpu.memory_space<vmem>>
    %dma_wait3A_229 = arith.constant 128 : i32
    %dma_wait3A_230 = tpu.memref_slice %arg7[%dma_wait3A_229] : memref<3200xi32, #tpu.memory_space<vmem>> -> memref<128xi32, #tpu.memory_space<vmem>>
    %dma_wait3A_231 = arith.constant 0 : i32
    %dma_wait3A_232 = arith.constant 0 : i32
    %dma_wait3A_233 = tpu.memref_slice %arg9[%dma_wait3A_231, %dma_wait3A_232] : memref<102400x8xi32, #tpu.memory_space<vmem_shared>> -> memref<102400x8xi32, #tpu.memory_space<vmem_shared>>
    tpu.wait_indirect_dma semaphore(%arg10 : memref<!tpu.dma_semaphore, #tpu.memory_space<semaphore_mem>>) src(%dma_wait3A_233 : memref<102400x8xi32, #tpu.memory_space<vmem_shared>>) dst(%dma_wait3A_228 : memref<128x8xi32, #tpu.memory_space<vmem>>)
    %dma_wait3A_234 = arith.constant 256 : i32
    %dma_wait3A_235 = arith.constant 0 : i32
    %dma_wait3A_236 = tpu.memref_slice %arg6[%dma_wait3A_234, %dma_wait3A_235] : memref<3200x8xi32, #tpu.memory_space<vmem>> -> memref<128x8xi32, #tpu.memory_space<vmem>>
    %dma_wait3A_237 = arith.constant 256 : i32
    %dma_wait3A_238 = tpu.memref_slice %arg7[%dma_wait3A_237] : memref<3200xi32, #tpu.memory_space<vmem>> -> memref<128xi32, #tpu.memory_space<vmem>>
    %dma_wait3A_239 = arith.constant 0 : i32
    %dma_wait3A_240 = arith.constant 0 : i32
    %dma_wait3A_241 = tpu.memref_slice %arg9[%dma_wait3A_239, %dma_wait3A_240] : memref<102400x8xi32, #tpu.memory_space<vmem_shared>> -> memref<102400x8xi32, #tpu.memory_space<vmem_shared>>
    tpu.wait_indirect_dma semaphore(%arg10 : memref<!tpu.dma_semaphore, #tpu.memory_space<semaphore_mem>>) src(%dma_wait3A_241 : memref<102400x8xi32, #tpu.memory_space<vmem_shared>>) dst(%dma_wait3A_236 : memref<128x8xi32, #tpu.memory_space<vmem>>)
    %dma_wait3A_242 = arith.constant 384 : i32
    %dma_wait3A_243 = arith.constant 0 : i32
    %dma_wait3A_244 = tpu.memref_slice %arg6[%dma_wait3A_242, %dma_wait3A_243] : memref<3200x8xi32, #tpu.memory_space<vmem>> -> memref<128x8xi32, #tpu.memory_space<vmem>>
    %dma_wait3A_245 = arith.constant 384 : i32
    %dma_wait3A_246 = tpu.memref_slice %arg7[%dma_wait3A_245] : memref<3200xi32, #tpu.memory_space<vmem>> -> memref<128xi32, #tpu.memory_space<vmem>>
    %dma_wait3A_247 = arith.constant 0 : i32
    %dma_wait3A_248 = arith.constant 0 : i32
    %dma_wait3A_249 = tpu.memref_slice %arg9[%dma_wait3A_247, %dma_wait3A_248] : memref<102400x8xi32, #tpu.memory_space<vmem_shared>> -> memref<102400x8xi32, #tpu.memory_space<vmem_shared>>
    tpu.wait_indirect_dma semaphore(%arg10 : memref<!tpu.dma_semaphore, #tpu.memory_space<semaphore_mem>>) src(%dma_wait3A_249 : memref<102400x8xi32, #tpu.memory_space<vmem_shared>>) dst(%dma_wait3A_244 : memref<128x8xi32, #tpu.memory_space<vmem>>)
    %dma_wait3A_250 = arith.constant 512 : i32
    %dma_wait3A_251 = arith.constant 0 : i32
    %dma_wait3A_252 = tpu.memref_slice %arg6[%dma_wait3A_250, %dma_wait3A_251] : memref<3200x8xi32, #tpu.memory_space<vmem>> -> memref<128x8xi32, #tpu.memory_space<vmem>>
    %dma_wait3A_253 = arith.constant 512 : i32
    %dma_wait3A_254 = tpu.memref_slice %arg7[%dma_wait3A_253] : memref<3200xi32, #tpu.memory_space<vmem>> -> memref<128xi32, #tpu.memory_space<vmem>>
    %dma_wait3A_255 = arith.constant 0 : i32
    %dma_wait3A_256 = arith.constant 0 : i32
    %dma_wait3A_257 = tpu.memref_slice %arg9[%dma_wait3A_255, %dma_wait3A_256] : memref<102400x8xi32, #tpu.memory_space<vmem_shared>> -> memref<102400x8xi32, #tpu.memory_space<vmem_shared>>
    tpu.wait_indirect_dma semaphore(%arg10 : memref<!tpu.dma_semaphore, #tpu.memory_space<semaphore_mem>>) src(%dma_wait3A_257 : memref<102400x8xi32, #tpu.memory_space<vmem_shared>>) dst(%dma_wait3A_252 : memref<128x8xi32, #tpu.memory_space<vmem>>)
    %dma_wait3A_258 = arith.constant 640 : i32
    %dma_wait3A_259 = arith.constant 0 : i32
    %dma_wait3A_260 = tpu.memref_slice %arg6[%dma_wait3A_258, %dma_wait3A_259] : memref<3200x8xi32, #tpu.memory_space<vmem>> -> memref<128x8xi32, #tpu.memory_space<vmem>>
    %dma_wait3A_261 = arith.constant 640 : i32
    %dma_wait3A_262 = tpu.memref_slice %arg7[%dma_wait3A_261] : memref<3200xi32, #tpu.memory_space<vmem>> -> memref<128xi32, #tpu.memory_space<vmem>>
    %dma_wait3A_263 = arith.constant 0 : i32
    %dma_wait3A_264 = arith.constant 0 : i32
    %dma_wait3A_265 = tpu.memref_slice %arg9[%dma_wait3A_263, %dma_wait3A_264] : memref<102400x8xi32, #tpu.memory_space<vmem_shared>> -> memref<102400x8xi32, #tpu.memory_space<vmem_shared>>
    tpu.wait_indirect_dma semaphore(%arg10 : memref<!tpu.dma_semaphore, #tpu.memory_space<semaphore_mem>>) src(%dma_wait3A_265 : memref<102400x8xi32, #tpu.memory_space<vmem_shared>>) dst(%dma_wait3A_260 : memref<128x8xi32, #tpu.memory_space<vmem>>)
    %dma_wait3A_266 = arith.constant 768 : i32
    %dma_wait3A_267 = arith.constant 0 : i32
    %dma_wait3A_268 = tpu.memref_slice %arg6[%dma_wait3A_266, %dma_wait3A_267] : memref<3200x8xi32, #tpu.memory_space<vmem>> -> memref<128x8xi32, #tpu.memory_space<vmem>>
    %dma_wait3A_269 = arith.constant 768 : i32
    %dma_wait3A_270 = tpu.memref_slice %arg7[%dma_wait3A_269] : memref<3200xi32, #tpu.memory_space<vmem>> -> memref<128xi32, #tpu.memory_space<vmem>>
    %dma_wait3A_271 = arith.constant 0 : i32
    %dma_wait3A_272 = arith.constant 0 : i32
    %dma_wait3A_273 = tpu.memref_slice %arg9[%dma_wait3A_271, %dma_wait3A_272] : memref<102400x8xi32, #tpu.memory_space<vmem_shared>> -> memref<102400x8xi32, #tpu.memory_space<vmem_shared>>
    tpu.wait_indirect_dma semaphore(%arg10 : memref<!tpu.dma_semaphore, #tpu.memory_space<semaphore_mem>>) src(%dma_wait3A_273 : memref<102400x8xi32, #tpu.memory_space<vmem_shared>>) dst(%dma_wait3A_268 : memref<128x8xi32, #tpu.memory_space<vmem>>)
    %dma_wait3A_274 = arith.constant 896 : i32
    %dma_wait3A_275 = arith.constant 0 : i32
    %dma_wait3A_276 = tpu.memref_slice %arg6[%dma_wait3A_274, %dma_wait3A_275] : memref<3200x8xi32, #tpu.memory_space<vmem>> -> memref<128x8xi32, #tpu.memory_space<vmem>>
    %dma_wait3A_277 = arith.constant 896 : i32
    %dma_wait3A_278 = tpu.memref_slice %arg7[%dma_wait3A_277] : memref<3200xi32, #tpu.memory_space<vmem>> -> memref<128xi32, #tpu.memory_space<vmem>>
    %dma_wait3A_279 = arith.constant 0 : i32
    %dma_wait3A_280 = arith.constant 0 : i32
    %dma_wait3A_281 = tpu.memref_slice %arg9[%dma_wait3A_279, %dma_wait3A_280] : memref<102400x8xi32, #tpu.memory_space<vmem_shared>> -> memref<102400x8xi32, #tpu.memory_space<vmem_shared>>
    tpu.wait_indirect_dma semaphore(%arg10 : memref<!tpu.dma_semaphore, #tpu.memory_space<semaphore_mem>>) src(%dma_wait3A_281 : memref<102400x8xi32, #tpu.memory_space<vmem_shared>>) dst(%dma_wait3A_276 : memref<128x8xi32, #tpu.memory_space<vmem>>)
    %dma_wait3A_282 = arith.constant 1024 : i32
    %dma_wait3A_283 = arith.constant 0 : i32
    %dma_wait3A_284 = tpu.memref_slice %arg6[%dma_wait3A_282, %dma_wait3A_283] : memref<3200x8xi32, #tpu.memory_space<vmem>> -> memref<128x8xi32, #tpu.memory_space<vmem>>
    %dma_wait3A_285 = arith.constant 1024 : i32
    %dma_wait3A_286 = tpu.memref_slice %arg7[%dma_wait3A_285] : memref<3200xi32, #tpu.memory_space<vmem>> -> memref<128xi32, #tpu.memory_space<vmem>>
    %dma_wait3A_287 = arith.constant 0 : i32
    %dma_wait3A_288 = arith.constant 0 : i32
    %dma_wait3A_289 = tpu.memref_slice %arg9[%dma_wait3A_287, %dma_wait3A_288] : memref<102400x8xi32, #tpu.memory_space<vmem_shared>> -> memref<102400x8xi32, #tpu.memory_space<vmem_shared>>
    tpu.wait_indirect_dma semaphore(%arg10 : memref<!tpu.dma_semaphore, #tpu.memory_space<semaphore_mem>>) src(%dma_wait3A_289 : memref<102400x8xi32, #tpu.memory_space<vmem_shared>>) dst(%dma_wait3A_284 : memref<128x8xi32, #tpu.memory_space<vmem>>)
    %dma_wait3A_290 = arith.constant 1152 : i32
    %dma_wait3A_291 = arith.constant 0 : i32
    %dma_wait3A_292 = tpu.memref_slice %arg6[%dma_wait3A_290, %dma_wait3A_291] : memref<3200x8xi32, #tpu.memory_space<vmem>> -> memref<128x8xi32, #tpu.memory_space<vmem>>
    %dma_wait3A_293 = arith.constant 1152 : i32
    %dma_wait3A_294 = tpu.memref_slice %arg7[%dma_wait3A_293] : memref<3200xi32, #tpu.memory_space<vmem>> -> memref<128xi32, #tpu.memory_space<vmem>>
    %dma_wait3A_295 = arith.constant 0 : i32
    %dma_wait3A_296 = arith.constant 0 : i32
    %dma_wait3A_297 = tpu.memref_slice %arg9[%dma_wait3A_295, %dma_wait3A_296] : memref<102400x8xi32, #tpu.memory_space<vmem_shared>> -> memref<102400x8xi32, #tpu.memory_space<vmem_shared>>
    tpu.wait_indirect_dma semaphore(%arg10 : memref<!tpu.dma_semaphore, #tpu.memory_space<semaphore_mem>>) src(%dma_wait3A_297 : memref<102400x8xi32, #tpu.memory_space<vmem_shared>>) dst(%dma_wait3A_292 : memref<128x8xi32, #tpu.memory_space<vmem>>)
    %dma_wait3A_298 = arith.constant 1280 : i32
    %dma_wait3A_299 = arith.constant 0 : i32
    %dma_wait3A_300 = tpu.memref_slice %arg6[%dma_wait3A_298, %dma_wait3A_299] : memref<3200x8xi32, #tpu.memory_space<vmem>> -> memref<128x8xi32, #tpu.memory_space<vmem>>
    %dma_wait3A_301 = arith.constant 1280 : i32
    %dma_wait3A_302 = tpu.memref_slice %arg7[%dma_wait3A_301] : memref<3200xi32, #tpu.memory_space<vmem>> -> memref<128xi32, #tpu.memory_space<vmem>>
    %dma_wait3A_303 = arith.constant 0 : i32
    %dma_wait3A_304 = arith.constant 0 : i32
    %dma_wait3A_305 = tpu.memref_slice %arg9[%dma_wait3A_303, %dma_wait3A_304] : memref<102400x8xi32, #tpu.memory_space<vmem_shared>> -> memref<102400x8xi32, #tpu.memory_space<vmem_shared>>
    tpu.wait_indirect_dma semaphore(%arg10 : memref<!tpu.dma_semaphore, #tpu.memory_space<semaphore_mem>>) src(%dma_wait3A_305 : memref<102400x8xi32, #tpu.memory_space<vmem_shared>>) dst(%dma_wait3A_300 : memref<128x8xi32, #tpu.memory_space<vmem>>)
    %dma_wait3A_306 = arith.constant 1408 : i32
    %dma_wait3A_307 = arith.constant 0 : i32
    %dma_wait3A_308 = tpu.memref_slice %arg6[%dma_wait3A_306, %dma_wait3A_307] : memref<3200x8xi32, #tpu.memory_space<vmem>> -> memref<128x8xi32, #tpu.memory_space<vmem>>
    %dma_wait3A_309 = arith.constant 1408 : i32
    %dma_wait3A_310 = tpu.memref_slice %arg7[%dma_wait3A_309] : memref<3200xi32, #tpu.memory_space<vmem>> -> memref<128xi32, #tpu.memory_space<vmem>>
    %dma_wait3A_311 = arith.constant 0 : i32
    %dma_wait3A_312 = arith.constant 0 : i32
    %dma_wait3A_313 = tpu.memref_slice %arg9[%dma_wait3A_311, %dma_wait3A_312] : memref<102400x8xi32, #tpu.memory_space<vmem_shared>> -> memref<102400x8xi32, #tpu.memory_space<vmem_shared>>
    tpu.wait_indirect_dma semaphore(%arg10 : memref<!tpu.dma_semaphore, #tpu.memory_space<semaphore_mem>>) src(%dma_wait3A_313 : memref<102400x8xi32, #tpu.memory_space<vmem_shared>>) dst(%dma_wait3A_308 : memref<128x8xi32, #tpu.memory_space<vmem>>)
    %dma_wait3A_314 = arith.constant 1536 : i32
    %dma_wait3A_315 = arith.constant 0 : i32
    %dma_wait3A_316 = tpu.memref_slice %arg6[%dma_wait3A_314, %dma_wait3A_315] : memref<3200x8xi32, #tpu.memory_space<vmem>> -> memref<128x8xi32, #tpu.memory_space<vmem>>
    %dma_wait3A_317 = arith.constant 1536 : i32
    %dma_wait3A_318 = tpu.memref_slice %arg7[%dma_wait3A_317] : memref<3200xi32, #tpu.memory_space<vmem>> -> memref<128xi32, #tpu.memory_space<vmem>>
    %dma_wait3A_319 = arith.constant 0 : i32
    %dma_wait3A_320 = arith.constant 0 : i32
    %dma_wait3A_321 = tpu.memref_slice %arg9[%dma_wait3A_319, %dma_wait3A_320] : memref<102400x8xi32, #tpu.memory_space<vmem_shared>> -> memref<102400x8xi32, #tpu.memory_space<vmem_shared>>
    tpu.wait_indirect_dma semaphore(%arg10 : memref<!tpu.dma_semaphore, #tpu.memory_space<semaphore_mem>>) src(%dma_wait3A_321 : memref<102400x8xi32, #tpu.memory_space<vmem_shared>>) dst(%dma_wait3A_316 : memref<128x8xi32, #tpu.memory_space<vmem>>)
    %dma_wait3A_322 = arith.constant 1664 : i32
    %dma_wait3A_323 = arith.constant 0 : i32
    %dma_wait3A_324 = tpu.memref_slice %arg6[%dma_wait3A_322, %dma_wait3A_323] : memref<3200x8xi32, #tpu.memory_space<vmem>> -> memref<128x8xi32, #tpu.memory_space<vmem>>
    %dma_wait3A_325 = arith.constant 1664 : i32
    %dma_wait3A_326 = tpu.memref_slice %arg7[%dma_wait3A_325] : memref<3200xi32, #tpu.memory_space<vmem>> -> memref<128xi32, #tpu.memory_space<vmem>>
    %dma_wait3A_327 = arith.constant 0 : i32
    %dma_wait3A_328 = arith.constant 0 : i32
    %dma_wait3A_329 = tpu.memref_slice %arg9[%dma_wait3A_327, %dma_wait3A_328] : memref<102400x8xi32, #tpu.memory_space<vmem_shared>> -> memref<102400x8xi32, #tpu.memory_space<vmem_shared>>
    tpu.wait_indirect_dma semaphore(%arg10 : memref<!tpu.dma_semaphore, #tpu.memory_space<semaphore_mem>>) src(%dma_wait3A_329 : memref<102400x8xi32, #tpu.memory_space<vmem_shared>>) dst(%dma_wait3A_324 : memref<128x8xi32, #tpu.memory_space<vmem>>)
    %dma_wait3A_330 = arith.constant 1792 : i32
    %dma_wait3A_331 = arith.constant 0 : i32
    %dma_wait3A_332 = tpu.memref_slice %arg6[%dma_wait3A_330, %dma_wait3A_331] : memref<3200x8xi32, #tpu.memory_space<vmem>> -> memref<128x8xi32, #tpu.memory_space<vmem>>
    %dma_wait3A_333 = arith.constant 1792 : i32
    %dma_wait3A_334 = tpu.memref_slice %arg7[%dma_wait3A_333] : memref<3200xi32, #tpu.memory_space<vmem>> -> memref<128xi32, #tpu.memory_space<vmem>>
    %dma_wait3A_335 = arith.constant 0 : i32
    %dma_wait3A_336 = arith.constant 0 : i32
    %dma_wait3A_337 = tpu.memref_slice %arg9[%dma_wait3A_335, %dma_wait3A_336] : memref<102400x8xi32, #tpu.memory_space<vmem_shared>> -> memref<102400x8xi32, #tpu.memory_space<vmem_shared>>
    tpu.wait_indirect_dma semaphore(%arg10 : memref<!tpu.dma_semaphore, #tpu.memory_space<semaphore_mem>>) src(%dma_wait3A_337 : memref<102400x8xi32, #tpu.memory_space<vmem_shared>>) dst(%dma_wait3A_332 : memref<128x8xi32, #tpu.memory_space<vmem>>)
    %dma_wait3A_338 = arith.constant 1920 : i32
    %dma_wait3A_339 = arith.constant 0 : i32
    %dma_wait3A_340 = tpu.memref_slice %arg6[%dma_wait3A_338, %dma_wait3A_339] : memref<3200x8xi32, #tpu.memory_space<vmem>> -> memref<128x8xi32, #tpu.memory_space<vmem>>
    %dma_wait3A_341 = arith.constant 1920 : i32
    %dma_wait3A_342 = tpu.memref_slice %arg7[%dma_wait3A_341] : memref<3200xi32, #tpu.memory_space<vmem>> -> memref<128xi32, #tpu.memory_space<vmem>>
    %dma_wait3A_343 = arith.constant 0 : i32
    %dma_wait3A_344 = arith.constant 0 : i32
    %dma_wait3A_345 = tpu.memref_slice %arg9[%dma_wait3A_343, %dma_wait3A_344] : memref<102400x8xi32, #tpu.memory_space<vmem_shared>> -> memref<102400x8xi32, #tpu.memory_space<vmem_shared>>
    tpu.wait_indirect_dma semaphore(%arg10 : memref<!tpu.dma_semaphore, #tpu.memory_space<semaphore_mem>>) src(%dma_wait3A_345 : memref<102400x8xi32, #tpu.memory_space<vmem_shared>>) dst(%dma_wait3A_340 : memref<128x8xi32, #tpu.memory_space<vmem>>)
    %dma_wait3A_346 = arith.constant 2048 : i32
    %dma_wait3A_347 = arith.constant 0 : i32
    %dma_wait3A_348 = tpu.memref_slice %arg6[%dma_wait3A_346, %dma_wait3A_347] : memref<3200x8xi32, #tpu.memory_space<vmem>> -> memref<128x8xi32, #tpu.memory_space<vmem>>
    %dma_wait3A_349 = arith.constant 2048 : i32
    %dma_wait3A_350 = tpu.memref_slice %arg7[%dma_wait3A_349] : memref<3200xi32, #tpu.memory_space<vmem>> -> memref<128xi32, #tpu.memory_space<vmem>>
    %dma_wait3A_351 = arith.constant 0 : i32
    %dma_wait3A_352 = arith.constant 0 : i32
    %dma_wait3A_353 = tpu.memref_slice %arg9[%dma_wait3A_351, %dma_wait3A_352] : memref<102400x8xi32, #tpu.memory_space<vmem_shared>> -> memref<102400x8xi32, #tpu.memory_space<vmem_shared>>
    tpu.wait_indirect_dma semaphore(%arg10 : memref<!tpu.dma_semaphore, #tpu.memory_space<semaphore_mem>>) src(%dma_wait3A_353 : memref<102400x8xi32, #tpu.memory_space<vmem_shared>>) dst(%dma_wait3A_348 : memref<128x8xi32, #tpu.memory_space<vmem>>)
    %dma_wait3A_354 = arith.constant 2176 : i32
    %dma_wait3A_355 = arith.constant 0 : i32
    %dma_wait3A_356 = tpu.memref_slice %arg6[%dma_wait3A_354, %dma_wait3A_355] : memref<3200x8xi32, #tpu.memory_space<vmem>> -> memref<128x8xi32, #tpu.memory_space<vmem>>
    %dma_wait3A_357 = arith.constant 2176 : i32
    %dma_wait3A_358 = tpu.memref_slice %arg7[%dma_wait3A_357] : memref<3200xi32, #tpu.memory_space<vmem>> -> memref<128xi32, #tpu.memory_space<vmem>>
    %dma_wait3A_359 = arith.constant 0 : i32
    %dma_wait3A_360 = arith.constant 0 : i32
    %dma_wait3A_361 = tpu.memref_slice %arg9[%dma_wait3A_359, %dma_wait3A_360] : memref<102400x8xi32, #tpu.memory_space<vmem_shared>> -> memref<102400x8xi32, #tpu.memory_space<vmem_shared>>
    tpu.wait_indirect_dma semaphore(%arg10 : memref<!tpu.dma_semaphore, #tpu.memory_space<semaphore_mem>>) src(%dma_wait3A_361 : memref<102400x8xi32, #tpu.memory_space<vmem_shared>>) dst(%dma_wait3A_356 : memref<128x8xi32, #tpu.memory_space<vmem>>)
    %dma_wait3A_362 = arith.constant 2304 : i32
    %dma_wait3A_363 = arith.constant 0 : i32
    %dma_wait3A_364 = tpu.memref_slice %arg6[%dma_wait3A_362, %dma_wait3A_363] : memref<3200x8xi32, #tpu.memory_space<vmem>> -> memref<128x8xi32, #tpu.memory_space<vmem>>
    %dma_wait3A_365 = arith.constant 2304 : i32
    %dma_wait3A_366 = tpu.memref_slice %arg7[%dma_wait3A_365] : memref<3200xi32, #tpu.memory_space<vmem>> -> memref<128xi32, #tpu.memory_space<vmem>>
    %dma_wait3A_367 = arith.constant 0 : i32
    %dma_wait3A_368 = arith.constant 0 : i32
    %dma_wait3A_369 = tpu.memref_slice %arg9[%dma_wait3A_367, %dma_wait3A_368] : memref<102400x8xi32, #tpu.memory_space<vmem_shared>> -> memref<102400x8xi32, #tpu.memory_space<vmem_shared>>
    tpu.wait_indirect_dma semaphore(%arg10 : memref<!tpu.dma_semaphore, #tpu.memory_space<semaphore_mem>>) src(%dma_wait3A_369 : memref<102400x8xi32, #tpu.memory_space<vmem_shared>>) dst(%dma_wait3A_364 : memref<128x8xi32, #tpu.memory_space<vmem>>)
    %dma_wait3A_370 = arith.constant 2432 : i32
    %dma_wait3A_371 = arith.constant 0 : i32
    %dma_wait3A_372 = tpu.memref_slice %arg6[%dma_wait3A_370, %dma_wait3A_371] : memref<3200x8xi32, #tpu.memory_space<vmem>> -> memref<128x8xi32, #tpu.memory_space<vmem>>
    %dma_wait3A_373 = arith.constant 2432 : i32
    %dma_wait3A_374 = tpu.memref_slice %arg7[%dma_wait3A_373] : memref<3200xi32, #tpu.memory_space<vmem>> -> memref<128xi32, #tpu.memory_space<vmem>>
    %dma_wait3A_375 = arith.constant 0 : i32
    %dma_wait3A_376 = arith.constant 0 : i32
    %dma_wait3A_377 = tpu.memref_slice %arg9[%dma_wait3A_375, %dma_wait3A_376] : memref<102400x8xi32, #tpu.memory_space<vmem_shared>> -> memref<102400x8xi32, #tpu.memory_space<vmem_shared>>
    tpu.wait_indirect_dma semaphore(%arg10 : memref<!tpu.dma_semaphore, #tpu.memory_space<semaphore_mem>>) src(%dma_wait3A_377 : memref<102400x8xi32, #tpu.memory_space<vmem_shared>>) dst(%dma_wait3A_372 : memref<128x8xi32, #tpu.memory_space<vmem>>)
    %dma_wait3A_378 = arith.constant 2560 : i32
    %dma_wait3A_379 = arith.constant 0 : i32
    %dma_wait3A_380 = tpu.memref_slice %arg6[%dma_wait3A_378, %dma_wait3A_379] : memref<3200x8xi32, #tpu.memory_space<vmem>> -> memref<128x8xi32, #tpu.memory_space<vmem>>
    %dma_wait3A_381 = arith.constant 2560 : i32
    %dma_wait3A_382 = tpu.memref_slice %arg7[%dma_wait3A_381] : memref<3200xi32, #tpu.memory_space<vmem>> -> memref<128xi32, #tpu.memory_space<vmem>>
    %dma_wait3A_383 = arith.constant 0 : i32
    %dma_wait3A_384 = arith.constant 0 : i32
    %dma_wait3A_385 = tpu.memref_slice %arg9[%dma_wait3A_383, %dma_wait3A_384] : memref<102400x8xi32, #tpu.memory_space<vmem_shared>> -> memref<102400x8xi32, #tpu.memory_space<vmem_shared>>
    tpu.wait_indirect_dma semaphore(%arg10 : memref<!tpu.dma_semaphore, #tpu.memory_space<semaphore_mem>>) src(%dma_wait3A_385 : memref<102400x8xi32, #tpu.memory_space<vmem_shared>>) dst(%dma_wait3A_380 : memref<128x8xi32, #tpu.memory_space<vmem>>)
    %dma_wait3A_386 = arith.constant 2688 : i32
    %dma_wait3A_387 = arith.constant 0 : i32
    %dma_wait3A_388 = tpu.memref_slice %arg6[%dma_wait3A_386, %dma_wait3A_387] : memref<3200x8xi32, #tpu.memory_space<vmem>> -> memref<128x8xi32, #tpu.memory_space<vmem>>
    %dma_wait3A_389 = arith.constant 2688 : i32
    %dma_wait3A_390 = tpu.memref_slice %arg7[%dma_wait3A_389] : memref<3200xi32, #tpu.memory_space<vmem>> -> memref<128xi32, #tpu.memory_space<vmem>>
    %dma_wait3A_391 = arith.constant 0 : i32
    %dma_wait3A_392 = arith.constant 0 : i32
    %dma_wait3A_393 = tpu.memref_slice %arg9[%dma_wait3A_391, %dma_wait3A_392] : memref<102400x8xi32, #tpu.memory_space<vmem_shared>> -> memref<102400x8xi32, #tpu.memory_space<vmem_shared>>
    tpu.wait_indirect_dma semaphore(%arg10 : memref<!tpu.dma_semaphore, #tpu.memory_space<semaphore_mem>>) src(%dma_wait3A_393 : memref<102400x8xi32, #tpu.memory_space<vmem_shared>>) dst(%dma_wait3A_388 : memref<128x8xi32, #tpu.memory_space<vmem>>)
    %dma_wait3A_394 = arith.constant 2816 : i32
    %dma_wait3A_395 = arith.constant 0 : i32
    %dma_wait3A_396 = tpu.memref_slice %arg6[%dma_wait3A_394, %dma_wait3A_395] : memref<3200x8xi32, #tpu.memory_space<vmem>> -> memref<128x8xi32, #tpu.memory_space<vmem>>
    %dma_wait3A_397 = arith.constant 2816 : i32
    %dma_wait3A_398 = tpu.memref_slice %arg7[%dma_wait3A_397] : memref<3200xi32, #tpu.memory_space<vmem>> -> memref<128xi32, #tpu.memory_space<vmem>>
    %dma_wait3A_399 = arith.constant 0 : i32
    %dma_wait3A_400 = arith.constant 0 : i32
    %dma_wait3A_401 = tpu.memref_slice %arg9[%dma_wait3A_399, %dma_wait3A_400] : memref<102400x8xi32, #tpu.memory_space<vmem_shared>> -> memref<102400x8xi32, #tpu.memory_space<vmem_shared>>
    tpu.wait_indirect_dma semaphore(%arg10 : memref<!tpu.dma_semaphore, #tpu.memory_space<semaphore_mem>>) src(%dma_wait3A_401 : memref<102400x8xi32, #tpu.memory_space<vmem_shared>>) dst(%dma_wait3A_396 : memref<128x8xi32, #tpu.memory_space<vmem>>)
    %dma_wait3A_402 = arith.constant 2944 : i32
    %dma_wait3A_403 = arith.constant 0 : i32
    %dma_wait3A_404 = tpu.memref_slice %arg6[%dma_wait3A_402, %dma_wait3A_403] : memref<3200x8xi32, #tpu.memory_space<vmem>> -> memref<128x8xi32, #tpu.memory_space<vmem>>
    %dma_wait3A_405 = arith.constant 2944 : i32
    %dma_wait3A_406 = tpu.memref_slice %arg7[%dma_wait3A_405] : memref<3200xi32, #tpu.memory_space<vmem>> -> memref<128xi32, #tpu.memory_space<vmem>>
    %dma_wait3A_407 = arith.constant 0 : i32
    %dma_wait3A_408 = arith.constant 0 : i32
    %dma_wait3A_409 = tpu.memref_slice %arg9[%dma_wait3A_407, %dma_wait3A_408] : memref<102400x8xi32, #tpu.memory_space<vmem_shared>> -> memref<102400x8xi32, #tpu.memory_space<vmem_shared>>
    tpu.wait_indirect_dma semaphore(%arg10 : memref<!tpu.dma_semaphore, #tpu.memory_space<semaphore_mem>>) src(%dma_wait3A_409 : memref<102400x8xi32, #tpu.memory_space<vmem_shared>>) dst(%dma_wait3A_404 : memref<128x8xi32, #tpu.memory_space<vmem>>)
    %dma_wait3A_410 = arith.constant 3072 : i32
    %dma_wait3A_411 = arith.constant 0 : i32
    %dma_wait3A_412 = tpu.memref_slice %arg6[%dma_wait3A_410, %dma_wait3A_411] : memref<3200x8xi32, #tpu.memory_space<vmem>> -> memref<128x8xi32, #tpu.memory_space<vmem>>
    %dma_wait3A_413 = arith.constant 3072 : i32
    %dma_wait3A_414 = tpu.memref_slice %arg7[%dma_wait3A_413] : memref<3200xi32, #tpu.memory_space<vmem>> -> memref<128xi32, #tpu.memory_space<vmem>>
    %dma_wait3A_415 = arith.constant 0 : i32
    %dma_wait3A_416 = arith.constant 0 : i32
    %dma_wait3A_417 = tpu.memref_slice %arg9[%dma_wait3A_415, %dma_wait3A_416] : memref<102400x8xi32, #tpu.memory_space<vmem_shared>> -> memref<102400x8xi32, #tpu.memory_space<vmem_shared>>
    tpu.wait_indirect_dma semaphore(%arg10 : memref<!tpu.dma_semaphore, #tpu.memory_space<semaphore_mem>>) src(%dma_wait3A_417 : memref<102400x8xi32, #tpu.memory_space<vmem_shared>>) dst(%dma_wait3A_412 : memref<128x8xi32, #tpu.memory_space<vmem>>)
    %broadcast_in_dim3A = arith.constant 0 : i32
    %broadcast_in_dim3A_418 = vector.broadcast %broadcast_in_dim3A : i32 to vector<16xi32>
    %scan3A_419 = arith.constant 0 : i32
    %scan3A_420 = arith.constant 200 : i32
    %scan3A_421 = arith.addi %scan3A_419, %scan3A_420 : i32
    %scan3A_422 = arith.constant 1 : i32
    %scan3A_423 = scf.for %scan3A_428 = %scan3A_419 to %scan3A_421 step %scan3A_422 iter_args(%scan3A_429 = %broadcast_in_dim3A_418) -> (vector<16xi32>)  : i32 {
      %iota3A = tpu.iota {dimensions = array<i32: 0>} : vector<16xi32>
      %mul3A_430 = arith.constant 16 : i32
      %mul3A_431 = arith.muli %scan3A_428, %mul3A_430 : i32
      %add3A_432 = vector.broadcast %mul3A_431 : i32 to vector<16xi32>
      %add3A_433 = arith.addi %iota3A, %add3A_432 : vector<16xi32>
      %broadcast_in_dim3A_434 = arith.constant 0 : i32
      %broadcast_in_dim3A_435 = vector.broadcast %broadcast_in_dim3A_434 : i32 to vector<16xi32>
      %gather3A = tpu.vector_load_idx %arg6[%add3A_433, %broadcast_in_dim3A_435] : memref<3200x8xi32, #tpu.memory_space<vmem>>[vector<16xi32>, vector<16xi32>], vector<16xi32>,
      %bitcast3A = vector.bitcast %gather3A : vector<16xi32> to vector<16xf32>
      %broadcast_in_dim3A_436 = arith.constant 1 : i32
      %broadcast_in_dim3A_437 = vector.broadcast %broadcast_in_dim3A_436 : i32 to vector<16xi32>
      %gather3A_438 = tpu.vector_load_idx %arg6[%add3A_433, %broadcast_in_dim3A_437] : memref<3200x8xi32, #tpu.memory_space<vmem>>[vector<16xi32>, vector<16xi32>], vector<16xi32>,
      %bitcast3A_439 = vector.bitcast %gather3A_438 : vector<16xi32> to vector<16xf32>
      %broadcast_in_dim3A_440 = arith.constant 2 : i32
      %broadcast_in_dim3A_441 = vector.broadcast %broadcast_in_dim3A_440 : i32 to vector<16xi32>
      %gather3A_442 = tpu.vector_load_idx %arg6[%add3A_433, %broadcast_in_dim3A_441] : memref<3200x8xi32, #tpu.memory_space<vmem>>[vector<16xi32>, vector<16xi32>], vector<16xi32>,
      %bitcast3A_443 = vector.bitcast %gather3A_442 : vector<16xi32> to vector<16xf32>
      %broadcast_in_dim3A_444 = arith.constant 3 : i32
      %broadcast_in_dim3A_445 = vector.broadcast %broadcast_in_dim3A_444 : i32 to vector<16xi32>
      %gather3A_446 = tpu.vector_load_idx %arg6[%add3A_433, %broadcast_in_dim3A_445] : memref<3200x8xi32, #tpu.memory_space<vmem>>[vector<16xi32>, vector<16xi32>], vector<16xi32>,
      %bitcast3A_447 = vector.bitcast %gather3A_446 : vector<16xi32> to vector<16xf32>
      %broadcast_in_dim3A_448 = arith.constant 4 : i32
      %broadcast_in_dim3A_449 = vector.broadcast %broadcast_in_dim3A_448 : i32 to vector<16xi32>
      %gather3A_450 = tpu.vector_load_idx %arg6[%add3A_433, %broadcast_in_dim3A_449] : memref<3200x8xi32, #tpu.memory_space<vmem>>[vector<16xi32>, vector<16xi32>], vector<16xi32>,
      %bitcast3A_451 = vector.bitcast %gather3A_450 : vector<16xi32> to vector<16xf32>
      %broadcast_in_dim3A_452 = arith.constant 5 : i32
      %broadcast_in_dim3A_453 = vector.broadcast %broadcast_in_dim3A_452 : i32 to vector<16xi32>
      %gather3A_454 = tpu.vector_load_idx %arg6[%add3A_433, %broadcast_in_dim3A_453] : memref<3200x8xi32, #tpu.memory_space<vmem>>[vector<16xi32>, vector<16xi32>], vector<16xi32>,
      %bitcast3A_455 = vector.bitcast %gather3A_454 : vector<16xi32> to vector<16xf32>
      %broadcast_in_dim3A_456 = arith.constant 6 : i32
      %broadcast_in_dim3A_457 = vector.broadcast %broadcast_in_dim3A_456 : i32 to vector<16xi32>
      %gather3A_458 = tpu.vector_load_idx %arg6[%add3A_433, %broadcast_in_dim3A_457] : memref<3200x8xi32, #tpu.memory_space<vmem>>[vector<16xi32>, vector<16xi32>], vector<16xi32>,
      %bitcast3A_459 = vector.bitcast %gather3A_458 : vector<16xi32> to vector<16xf32>
      %broadcast_in_dim3A_460 = arith.constant 7 : i32
      %broadcast_in_dim3A_461 = vector.broadcast %broadcast_in_dim3A_460 : i32 to vector<16xi32>
      %gather3A_462 = tpu.vector_load_idx %arg6[%add3A_433, %broadcast_in_dim3A_461] : memref<3200x8xi32, #tpu.memory_space<vmem>>[vector<16xi32>, vector<16xi32>], vector<16xi32>,
      %broadcast_in_dim3A_463 = arith.constant 0 : i32
      %broadcast_in_dim3A_464 = vector.broadcast %broadcast_in_dim3A_463 : i32 to vector<16xi32>
      %gather3A_465 = tpu.vector_load_idx %arg5[%add3A_433, %broadcast_in_dim3A_464] : memref<3200x8xi32, #tpu.memory_space<vmem>>[vector<16xi32>, vector<16xi32>], vector<16xi32>,
      %bitcast3A_466 = vector.bitcast %gather3A_465 : vector<16xi32> to vector<16xf32>
      %broadcast_in_dim3A_467 = arith.constant 1 : i32
      %broadcast_in_dim3A_468 = vector.broadcast %broadcast_in_dim3A_467 : i32 to vector<16xi32>
      %gather3A_469 = tpu.vector_load_idx %arg5[%add3A_433, %broadcast_in_dim3A_468] : memref<3200x8xi32, #tpu.memory_space<vmem>>[vector<16xi32>, vector<16xi32>], vector<16xi32>,
      %bitcast3A_470 = vector.bitcast %gather3A_469 : vector<16xi32> to vector<16xf32>
      %broadcast_in_dim3A_471 = arith.constant 2 : i32
      %broadcast_in_dim3A_472 = vector.broadcast %broadcast_in_dim3A_471 : i32 to vector<16xi32>
      %gather3A_473 = tpu.vector_load_idx %arg5[%add3A_433, %broadcast_in_dim3A_472] : memref<3200x8xi32, #tpu.memory_space<vmem>>[vector<16xi32>, vector<16xi32>], vector<16xi32>,
      %bitcast3A_474 = vector.bitcast %gather3A_473 : vector<16xi32> to vector<16xf32>
      %broadcast_in_dim3A_475 = arith.constant 3 : i32
      %broadcast_in_dim3A_476 = vector.broadcast %broadcast_in_dim3A_475 : i32 to vector<16xi32>
      %gather3A_477 = tpu.vector_load_idx %arg5[%add3A_433, %broadcast_in_dim3A_476] : memref<3200x8xi32, #tpu.memory_space<vmem>>[vector<16xi32>, vector<16xi32>], vector<16xi32>,
      %bitcast3A_478 = vector.bitcast %gather3A_477 : vector<16xi32> to vector<16xf32>
      %broadcast_in_dim3A_479 = arith.constant 4 : i32
      %broadcast_in_dim3A_480 = vector.broadcast %broadcast_in_dim3A_479 : i32 to vector<16xi32>
      %gather3A_481 = tpu.vector_load_idx %arg5[%add3A_433, %broadcast_in_dim3A_480] : memref<3200x8xi32, #tpu.memory_space<vmem>>[vector<16xi32>, vector<16xi32>], vector<16xi32>,
      %bitcast3A_482 = vector.bitcast %gather3A_481 : vector<16xi32> to vector<16xf32>
      %broadcast_in_dim3A_483 = arith.constant 5 : i32
      %broadcast_in_dim3A_484 = vector.broadcast %broadcast_in_dim3A_483 : i32 to vector<16xi32>
      %gather3A_485 = tpu.vector_load_idx %arg5[%add3A_433, %broadcast_in_dim3A_484] : memref<3200x8xi32, #tpu.memory_space<vmem>>[vector<16xi32>, vector<16xi32>], vector<16xi32>,
      %bitcast3A_486 = vector.bitcast %gather3A_485 : vector<16xi32> to vector<16xf32>
      %broadcast_in_dim3A_487 = arith.constant 6 : i32
      %broadcast_in_dim3A_488 = vector.broadcast %broadcast_in_dim3A_487 : i32 to vector<16xi32>
      %gather3A_489 = tpu.vector_load_idx %arg5[%add3A_433, %broadcast_in_dim3A_488] : memref<3200x8xi32, #tpu.memory_space<vmem>>[vector<16xi32>, vector<16xi32>], vector<16xi32>,
      %bitcast3A_490 = vector.bitcast %gather3A_489 : vector<16xi32> to vector<16xf32>
      %mul3A_491 = arith.mulf %bitcast3A, %bitcast3A_466 : vector<16xf32>
      %mul3A_492 = arith.mulf %bitcast3A_439, %bitcast3A_470 : vector<16xf32>
      %sub3A = arith.subf %mul3A_491, %mul3A_492 : vector<16xf32>
      %mul3A_493 = arith.mulf %bitcast3A_443, %bitcast3A_474 : vector<16xf32>
      %sub3A_494 = arith.subf %sub3A, %mul3A_493 : vector<16xf32>
      %mul3A_495 = arith.mulf %bitcast3A_447, %bitcast3A_478 : vector<16xf32>
      %sub3A_496 = arith.subf %sub3A_494, %mul3A_495 : vector<16xf32>
      %mul3A_497 = arith.mulf %bitcast3A, %bitcast3A_470 : vector<16xf32>
      %mul3A_498 = arith.mulf %bitcast3A_439, %bitcast3A_466 : vector<16xf32>
      %add3A_499 = arith.addf %mul3A_497, %mul3A_498 : vector<16xf32>
      %mul3A_500 = arith.mulf %bitcast3A_443, %bitcast3A_478 : vector<16xf32>
      %add3A_501 = arith.addf %add3A_499, %mul3A_500 : vector<16xf32>
      %mul3A_502 = arith.mulf %bitcast3A_447, %bitcast3A_474 : vector<16xf32>
      %sub3A_503 = arith.subf %add3A_501, %mul3A_502 : vector<16xf32>
      %mul3A_504 = arith.mulf %bitcast3A, %bitcast3A_474 : vector<16xf32>
      %mul3A_505 = arith.mulf %bitcast3A_439, %bitcast3A_478 : vector<16xf32>
      %sub3A_506 = arith.subf %mul3A_504, %mul3A_505 : vector<16xf32>
      %mul3A_507 = arith.mulf %bitcast3A_443, %bitcast3A_466 : vector<16xf32>
      %add3A_508 = arith.addf %sub3A_506, %mul3A_507 : vector<16xf32>
      %mul3A_509 = arith.mulf %bitcast3A_447, %bitcast3A_470 : vector<16xf32>
      %add3A_510 = arith.addf %add3A_508, %mul3A_509 : vector<16xf32>
      %mul3A_511 = arith.mulf %bitcast3A, %bitcast3A_478 : vector<16xf32>
      %mul3A_512 = arith.mulf %bitcast3A_439, %bitcast3A_474 : vector<16xf32>
      %add3A_513 = arith.addf %mul3A_511, %mul3A_512 : vector<16xf32>
      %mul3A_514 = arith.mulf %bitcast3A_443, %bitcast3A_470 : vector<16xf32>
      %sub3A_515 = arith.subf %add3A_513, %mul3A_514 : vector<16xf32>
      %mul3A_516 = arith.mulf %bitcast3A_447, %bitcast3A_466 : vector<16xf32>
      %add3A_517 = arith.addf %sub3A_515, %mul3A_516 : vector<16xf32>
      %mul3A_518 = arith.mulf %bitcast3A_443, %bitcast3A_490 : vector<16xf32>
      %mul3A_519 = arith.mulf %bitcast3A_447, %bitcast3A_486 : vector<16xf32>
      %sub3A_520 = arith.subf %mul3A_518, %mul3A_519 : vector<16xf32>
      %mul3A_521 = arith.mulf %bitcast3A_447, %bitcast3A_482 : vector<16xf32>
      %mul3A_522 = arith.mulf %bitcast3A_439, %bitcast3A_490 : vector<16xf32>
      %sub3A_523 = arith.subf %mul3A_521, %mul3A_522 : vector<16xf32>
      %mul3A_524 = arith.mulf %bitcast3A_439, %bitcast3A_486 : vector<16xf32>
      %mul3A_525 = arith.mulf %bitcast3A_443, %bitcast3A_482 : vector<16xf32>
      %sub3A_526 = arith.subf %mul3A_524, %mul3A_525 : vector<16xf32>
      %mul3A_527 = arith.mulf %bitcast3A_443, %sub3A_526 : vector<16xf32>
      %mul3A_528 = arith.mulf %bitcast3A_447, %sub3A_523 : vector<16xf32>
      %sub3A_529 = arith.subf %mul3A_527, %mul3A_528 : vector<16xf32>
      %mul3A_530 = arith.mulf %bitcast3A_447, %sub3A_520 : vector<16xf32>
      %mul3A_531 = arith.mulf %bitcast3A_439, %sub3A_526 : vector<16xf32>
      %sub3A_532 = arith.subf %mul3A_530, %mul3A_531 : vector<16xf32>
      %mul3A_533 = arith.mulf %bitcast3A_439, %sub3A_523 : vector<16xf32>
      %mul3A_534 = arith.mulf %bitcast3A_443, %sub3A_520 : vector<16xf32>
      %sub3A_535 = arith.subf %mul3A_533, %mul3A_534 : vector<16xf32>
      %add3A_536 = arith.addf %bitcast3A_451, %bitcast3A_482 : vector<16xf32>
      %mul3A_537 = arith.mulf %bitcast3A, %sub3A_520 : vector<16xf32>
      %add3A_538 = arith.addf %mul3A_537, %sub3A_529 : vector<16xf32>
      %mul3A_539 = arith.constant 2.000000e+00 : f32
      %mul3A_540 = vector.broadcast %mul3A_539 : f32 to vector<16xf32>
      %mul3A_541 = arith.mulf %mul3A_540, %add3A_538 : vector<16xf32>
      %add3A_542 = arith.addf %add3A_536, %mul3A_541 : vector<16xf32>
      %add3A_543 = arith.addf %bitcast3A_455, %bitcast3A_486 : vector<16xf32>
      %mul3A_544 = arith.mulf %bitcast3A, %sub3A_523 : vector<16xf32>
      %add3A_545 = arith.addf %mul3A_544, %sub3A_532 : vector<16xf32>
      %mul3A_546 = arith.constant 2.000000e+00 : f32
      %mul3A_547 = vector.broadcast %mul3A_546 : f32 to vector<16xf32>
      %mul3A_548 = arith.mulf %mul3A_547, %add3A_545 : vector<16xf32>
      %add3A_549 = arith.addf %add3A_543, %mul3A_548 : vector<16xf32>
      %add3A_550 = arith.addf %bitcast3A_459, %bitcast3A_490 : vector<16xf32>
      %mul3A_551 = arith.mulf %bitcast3A, %sub3A_526 : vector<16xf32>
      %add3A_552 = arith.addf %mul3A_551, %sub3A_535 : vector<16xf32>
      %mul3A_553 = arith.constant 2.000000e+00 : f32
      %mul3A_554 = vector.broadcast %mul3A_553 : f32 to vector<16xf32>
      %mul3A_555 = arith.mulf %mul3A_554, %add3A_552 : vector<16xf32>
      %add3A_556 = arith.addf %add3A_550, %mul3A_555 : vector<16xf32>
      %broadcast_in_dim3A_557 = arith.constant 0 : i32
      %broadcast_in_dim3A_558 = vector.broadcast %broadcast_in_dim3A_557 : i32 to vector<16xi32>
      %bitcast3A_559 = vector.bitcast %sub3A_496 : vector<16xf32> to vector<16xi32>
      tpu.vector_store_idx %arg5[%add3A_433, %broadcast_in_dim3A_558], %bitcast3A_559 : memref<3200x8xi32, #tpu.memory_space<vmem>>[vector<16xi32>, vector<16xi32>], vector<16xi32>,
      %broadcast_in_dim3A_560 = arith.constant 1 : i32
      %broadcast_in_dim3A_561 = vector.broadcast %broadcast_in_dim3A_560 : i32 to vector<16xi32>
      %bitcast3A_562 = vector.bitcast %sub3A_503 : vector<16xf32> to vector<16xi32>
      tpu.vector_store_idx %arg5[%add3A_433, %broadcast_in_dim3A_561], %bitcast3A_562 : memref<3200x8xi32, #tpu.memory_space<vmem>>[vector<16xi32>, vector<16xi32>], vector<16xi32>,
      %broadcast_in_dim3A_563 = arith.constant 2 : i32
      %broadcast_in_dim3A_564 = vector.broadcast %broadcast_in_dim3A_563 : i32 to vector<16xi32>
      %bitcast3A_565 = vector.bitcast %add3A_510 : vector<16xf32> to vector<16xi32>
      tpu.vector_store_idx %arg5[%add3A_433, %broadcast_in_dim3A_564], %bitcast3A_565 : memref<3200x8xi32, #tpu.memory_space<vmem>>[vector<16xi32>, vector<16xi32>], vector<16xi32>,
      %broadcast_in_dim3A_566 = arith.constant 3 : i32
      %broadcast_in_dim3A_567 = vector.broadcast %broadcast_in_dim3A_566 : i32 to vector<16xi32>
      %bitcast3A_568 = vector.bitcast %add3A_517 : vector<16xf32> to vector<16xi32>
      tpu.vector_store_idx %arg5[%add3A_433, %broadcast_in_dim3A_567], %bitcast3A_568 : memref<3200x8xi32, #tpu.memory_space<vmem>>[vector<16xi32>, vector<16xi32>], vector<16xi32>,
      %broadcast_in_dim3A_569 = arith.constant 4 : i32
      %broadcast_in_dim3A_570 = vector.broadcast %broadcast_in_dim3A_569 : i32 to vector<16xi32>
      %bitcast3A_571 = vector.bitcast %add3A_542 : vector<16xf32> to vector<16xi32>
      tpu.vector_store_idx %arg5[%add3A_433, %broadcast_in_dim3A_570], %bitcast3A_571 : memref<3200x8xi32, #tpu.memory_space<vmem>>[vector<16xi32>, vector<16xi32>], vector<16xi32>,
      %broadcast_in_dim3A_572 = arith.constant 5 : i32
      %broadcast_in_dim3A_573 = vector.broadcast %broadcast_in_dim3A_572 : i32 to vector<16xi32>
      %bitcast3A_574 = vector.bitcast %add3A_549 : vector<16xf32> to vector<16xi32>
      tpu.vector_store_idx %arg5[%add3A_433, %broadcast_in_dim3A_573], %bitcast3A_574 : memref<3200x8xi32, #tpu.memory_space<vmem>>[vector<16xi32>, vector<16xi32>], vector<16xi32>,
      %broadcast_in_dim3A_575 = arith.constant 6 : i32
      %broadcast_in_dim3A_576 = vector.broadcast %broadcast_in_dim3A_575 : i32 to vector<16xi32>
      %bitcast3A_577 = vector.bitcast %add3A_556 : vector<16xf32> to vector<16xi32>
      tpu.vector_store_idx %arg5[%add3A_433, %broadcast_in_dim3A_576], %bitcast3A_577 : memref<3200x8xi32, #tpu.memory_space<vmem>>[vector<16xi32>, vector<16xi32>], vector<16xi32>,
      %broadcast_in_dim3A_578 = arith.constant 7 : i32
      %broadcast_in_dim3A_579 = vector.broadcast %broadcast_in_dim3A_578 : i32 to vector<16xi32>
      tpu.vector_store_idx %arg5[%add3A_433, %broadcast_in_dim3A_579], %gather3A_462 : memref<3200x8xi32, #tpu.memory_space<vmem>>[vector<16xi32>, vector<16xi32>], vector<16xi32>,
      %or3A = arith.ori %scan3A_429, %gather3A_462 : vector<16xi32>
      scf.yield %or3A : vector<16xi32>
    }
    %scan3A_424 = arith.constant 200 : i32
    %swap3A = arith.constant 0 : i32
    %swap3A_425 = arith.index_cast %swap3A : i32 to index
    %swap3A_426 = arith.constant 0 : index
    %swap3A_427 = tpu.vector_load %arg8[%swap3A_425, %swap3A_426] {strides = array<i32>} : memref<1x16xi32, #tpu.memory_space<vmem>>, vector<16xi32>,
    tpu.vector_store %arg8[%swap3A_425, %swap3A_426], %scan3A_423 {strides = array<i32>} : memref<1x16xi32, #tpu.memory_space<vmem>>, vector<16xi32>,
    "tpu.region"() ({
      %run_scoped3A = tpu.sem_alloc : memref<!tpu.dma_semaphore, #tpu.memory_space<semaphore_mem>>
      %dma_start3A_428 = arith.constant 0 : i32
      %dma_start3A_429 = tpu.memref_slice %arg3[%mul3A_2, %dma_start3A_428] : memref<102400x8xi32, #tpu.memory_space<hbm>> -> memref<3200x8xi32, #tpu.memory_space<hbm>>
      %dma_start3A_430 = arith.constant 0 : i32
      %dma_start3A_431 = tpu.memref_slice %arg3[%mul3A_2, %dma_start3A_430] : memref<102400x8xi32, #tpu.memory_space<hbm>> -> memref<3200x8xi32, #tpu.memory_space<hbm>>
      tpu.enqueue_dma source(%arg5 : memref<3200x8xi32, #tpu.memory_space<vmem>>) target(%dma_start3A_431 : memref<3200x8xi32, #tpu.memory_space<hbm>>) target_semaphore(%run_scoped3A : memref<!tpu.dma_semaphore, #tpu.memory_space<semaphore_mem>>)
      %dma_wait3A_432 = arith.constant 0 : i32
      %dma_wait3A_433 = tpu.memref_slice %arg3[%mul3A_2, %dma_wait3A_432] : memref<102400x8xi32, #tpu.memory_space<hbm>> -> memref<3200x8xi32, #tpu.memory_space<hbm>>
      %dma_wait3A_434 = arith.constant 0 : i32
      %dma_wait3A_435 = tpu.memref_slice %arg3[%mul3A_2, %dma_wait3A_434] : memref<102400x8xi32, #tpu.memory_space<hbm>> -> memref<3200x8xi32, #tpu.memory_space<hbm>>
      tpu.wait_dma2 semaphore(%run_scoped3A : memref<!tpu.dma_semaphore, #tpu.memory_space<semaphore_mem>>) src(%arg5 : memref<3200x8xi32, #tpu.memory_space<vmem>>) dst(%dma_wait3A_435 : memref<3200x8xi32, #tpu.memory_space<hbm>>)
      tpu.yield
    }) : () -> ()
    "tpu.region"() ({
      %run_scoped3A = tpu.sem_alloc : memref<!tpu.dma_semaphore, #tpu.memory_space<semaphore_mem>>
      %dma_start3A_428 = arith.constant 0 : i32
      %dma_start3A_429 = tpu.memref_slice %arg4[%add3A, %dma_start3A_428] : memref<32x16xi32, #tpu.memory_space<hbm>> -> memref<1x16xi32, #tpu.memory_space<hbm>>
      %dma_start3A_430 = arith.constant 0 : i32
      %dma_start3A_431 = tpu.memref_slice %arg4[%add3A, %dma_start3A_430] : memref<32x16xi32, #tpu.memory_space<hbm>> -> memref<1x16xi32, #tpu.memory_space<hbm>>
      tpu.enqueue_dma source(%arg8 : memref<1x16xi32, #tpu.memory_space<vmem>>) target(%dma_start3A_431 : memref<1x16xi32, #tpu.memory_space<hbm>>) target_semaphore(%run_scoped3A : memref<!tpu.dma_semaphore, #tpu.memory_space<semaphore_mem>>)
      %dma_wait3A_432 = arith.constant 0 : i32
      %dma_wait3A_433 = tpu.memref_slice %arg4[%add3A, %dma_wait3A_432] : memref<32x16xi32, #tpu.memory_space<hbm>> -> memref<1x16xi32, #tpu.memory_space<hbm>>
      %dma_wait3A_434 = arith.constant 0 : i32
      %dma_wait3A_435 = tpu.memref_slice %arg4[%add3A, %dma_wait3A_434] : memref<32x16xi32, #tpu.memory_space<hbm>> -> memref<1x16xi32, #tpu.memory_space<hbm>>
      tpu.wait_dma2 semaphore(%run_scoped3A : memref<!tpu.dma_semaphore, #tpu.memory_space<semaphore_mem>>) src(%arg8 : memref<1x16xi32, #tpu.memory_space<vmem>>) dst(%dma_wait3A_435 : memref<1x16xi32, #tpu.memory_space<hbm>>)
      tpu.yield
    }) : () -> ()
    return
  }
}

module attributes {stable_mosaic.version = 14 : i64} {
  func.func @_tc_build_body(%arg0: i32, %arg1: memref<4x400x128xf32, #tpu.memory_space<vmem>>, %arg2: memref<7x400x128xf32, #tpu.memory_space<vmem>>) attributes {dimension_semantics = [#tpu.dimension_semantics<arbitrary>], iteration_bounds = array<i64: 2>, scalar_prefetch = 0 : i64, scratch_operands = 0 : i64, tpu.core_type = #tpu.core_type<tc>, window_params = [{transform_indices = @transform_0, window_bounds = array<i64: 4, 400, 128>}, {transform_indices = @transform_1, window_bounds = array<i64: 7, 400, 128>}]} {
    %get3A = arith.constant 0 : index
    %get3A_0 = arith.constant 0 : index
    %get3A_1 = arith.constant 0 : index
    %get3A_2 = vector.load %arg1[%get3A, %get3A_0, %get3A_1] : memref<4x400x128xf32, #tpu.memory_space<vmem>>, vector<1x400x128xf32>
    %get3A_3 = vector.shape_cast %get3A_2 : vector<1x400x128xf32> to vector<400x128xf32>
    %get3A_4 = arith.constant 1 : index
    %get3A_5 = arith.constant 0 : index
    %get3A_6 = arith.constant 0 : index
    %get3A_7 = vector.load %arg1[%get3A_4, %get3A_5, %get3A_6] : memref<4x400x128xf32, #tpu.memory_space<vmem>>, vector<1x400x128xf32>
    %get3A_8 = vector.shape_cast %get3A_7 : vector<1x400x128xf32> to vector<400x128xf32>
    %get3A_9 = arith.constant 2 : index
    %get3A_10 = arith.constant 0 : index
    %get3A_11 = arith.constant 0 : index
    %get3A_12 = vector.load %arg1[%get3A_9, %get3A_10, %get3A_11] : memref<4x400x128xf32, #tpu.memory_space<vmem>>, vector<1x400x128xf32>
    %get3A_13 = vector.shape_cast %get3A_12 : vector<1x400x128xf32> to vector<400x128xf32>
    %get3A_14 = arith.constant 3 : index
    %get3A_15 = arith.constant 0 : index
    %get3A_16 = arith.constant 0 : index
    %get3A_17 = vector.load %arg1[%get3A_14, %get3A_15, %get3A_16] : memref<4x400x128xf32, #tpu.memory_space<vmem>>, vector<1x400x128xf32>
    %get3A_18 = vector.shape_cast %get3A_17 : vector<1x400x128xf32> to vector<400x128xf32>
    %mul3A = arith.constant 5.000000e-01 : f32
    %mul3A_19 = vector.broadcast %mul3A : f32 to vector<400x128xf32>
    %mul3A_20 = arith.mulf %mul3A_19, %get3A_3 : vector<400x128xf32>
    %cos3A = math.cos %mul3A_20 : vector<400x128xf32>
    %mul3A_21 = arith.constant 5.000000e-01 : f32
    %mul3A_22 = vector.broadcast %mul3A_21 : f32 to vector<400x128xf32>
    %mul3A_23 = arith.mulf %mul3A_22, %get3A_3 : vector<400x128xf32>
    %sin3A = math.sin %mul3A_23 : vector<400x128xf32>
    %mul3A_24 = arith.constant 5.000000e-01 : f32
    %mul3A_25 = vector.broadcast %mul3A_24 : f32 to vector<400x128xf32>
    %mul3A_26 = arith.mulf %mul3A_25, %get3A_8 : vector<400x128xf32>
    %cos3A_27 = math.cos %mul3A_26 : vector<400x128xf32>
    %mul3A_28 = arith.constant 5.000000e-01 : f32
    %mul3A_29 = vector.broadcast %mul3A_28 : f32 to vector<400x128xf32>
    %mul3A_30 = arith.mulf %mul3A_29, %get3A_8 : vector<400x128xf32>
    %sin3A_31 = math.sin %mul3A_30 : vector<400x128xf32>
    %mul3A_32 = arith.constant 5.000000e-01 : f32
    %mul3A_33 = vector.broadcast %mul3A_32 : f32 to vector<400x128xf32>
    %mul3A_34 = arith.mulf %mul3A_33, %get3A_18 : vector<400x128xf32>
    %cos3A_35 = math.cos %mul3A_34 : vector<400x128xf32>
    %mul3A_36 = arith.constant 5.000000e-01 : f32
    %mul3A_37 = vector.broadcast %mul3A_36 : f32 to vector<400x128xf32>
    %mul3A_38 = arith.mulf %mul3A_37, %get3A_18 : vector<400x128xf32>
    %sin3A_39 = math.sin %mul3A_38 : vector<400x128xf32>
    %mul3A_40 = arith.mulf %cos3A, %cos3A_27 : vector<400x128xf32>
    %mul3A_41 = arith.mulf %sin3A, %cos3A_27 : vector<400x128xf32>
    %neg3A = arith.constant 0.000000e+00 : f32
    %neg3A_42 = vector.broadcast %neg3A : f32 to vector<400x128xf32>
    %neg3A_43 = arith.subf %neg3A_42, %sin3A : vector<400x128xf32>
    %mul3A_44 = arith.mulf %neg3A_43, %sin3A_31 : vector<400x128xf32>
    %mul3A_45 = arith.mulf %cos3A, %sin3A_31 : vector<400x128xf32>
    %mul3A_46 = arith.mulf %mul3A_40, %cos3A_35 : vector<400x128xf32>
    %mul3A_47 = arith.mulf %mul3A_41, %sin3A_39 : vector<400x128xf32>
    %sub3A = arith.subf %mul3A_46, %mul3A_47 : vector<400x128xf32>
    %mul3A_48 = arith.mulf %mul3A_40, %sin3A_39 : vector<400x128xf32>
    %mul3A_49 = arith.mulf %mul3A_41, %cos3A_35 : vector<400x128xf32>
    %add3A = arith.addf %mul3A_48, %mul3A_49 : vector<400x128xf32>
    %mul3A_50 = arith.mulf %mul3A_44, %cos3A_35 : vector<400x128xf32>
    %mul3A_51 = arith.mulf %mul3A_45, %sin3A_39 : vector<400x128xf32>
    %add3A_52 = arith.addf %mul3A_50, %mul3A_51 : vector<400x128xf32>
    %mul3A_53 = arith.mulf %mul3A_45, %cos3A_35 : vector<400x128xf32>
    %mul3A_54 = arith.mulf %mul3A_44, %sin3A_39 : vector<400x128xf32>
    %sub3A_55 = arith.subf %mul3A_53, %mul3A_54 : vector<400x128xf32>
    %mul3A_56 = arith.constant 2.000000e+00 : f32
    %mul3A_57 = vector.broadcast %mul3A_56 : f32 to vector<400x128xf32>
    %mul3A_58 = arith.mulf %mul3A_57, %sin3A_31 : vector<400x128xf32>
    %mul3A_59 = arith.mulf %mul3A_58, %sin3A_31 : vector<400x128xf32>
    %sub3A_60 = arith.constant 1.000000e+00 : f32
    %sub3A_61 = vector.broadcast %sub3A_60 : f32 to vector<400x128xf32>
    %sub3A_62 = arith.subf %sub3A_61, %mul3A_59 : vector<400x128xf32>
    %mul3A_63 = arith.constant 2.000000e+00 : f32
    %mul3A_64 = vector.broadcast %mul3A_63 : f32 to vector<400x128xf32>
    %mul3A_65 = arith.mulf %mul3A_64, %sin3A_31 : vector<400x128xf32>
    %mul3A_66 = arith.mulf %mul3A_65, %cos3A_27 : vector<400x128xf32>
    %mul3A_67 = arith.constant 2.000000e+00 : f32
    %mul3A_68 = vector.broadcast %mul3A_67 : f32 to vector<400x128xf32>
    %mul3A_69 = arith.mulf %mul3A_68, %sin3A : vector<400x128xf32>
    %mul3A_70 = arith.mulf %mul3A_69, %sin3A : vector<400x128xf32>
    %sub3A_71 = arith.constant 1.000000e+00 : f32
    %sub3A_72 = vector.broadcast %sub3A_71 : f32 to vector<400x128xf32>
    %sub3A_73 = arith.subf %sub3A_72, %mul3A_70 : vector<400x128xf32>
    %mul3A_74 = arith.constant 2.000000e+00 : f32
    %mul3A_75 = vector.broadcast %mul3A_74 : f32 to vector<400x128xf32>
    %mul3A_76 = arith.mulf %mul3A_75, %sin3A : vector<400x128xf32>
    %mul3A_77 = arith.mulf %mul3A_76, %cos3A : vector<400x128xf32>
    %mul3A_78 = arith.mulf %get3A_13, %sub3A_62 : vector<400x128xf32>
    %mul3A_79 = arith.mulf %sub3A_73, %get3A_13 : vector<400x128xf32>
    %mul3A_80 = arith.mulf %mul3A_79, %mul3A_66 : vector<400x128xf32>
    %mul3A_81 = arith.mulf %mul3A_77, %get3A_13 : vector<400x128xf32>
    %mul3A_82 = arith.mulf %mul3A_81, %mul3A_66 : vector<400x128xf32>
    %iota3A = tpu.iota {dimensions = array<i32: 0>} : vector<400x128xi32>
    %iota3A_83 = tpu.iota {dimensions = array<i32: 1>} : vector<400x128xi32>
    %mul3A_84 = arith.constant 400 : i32
    %mul3A_85 = arith.muli %arg0, %mul3A_84 : i32
    %add3A_86 = vector.broadcast %mul3A_85 : i32 to vector<400x128xi32>
    %add3A_87 = arith.addi %add3A_86, %iota3A : vector<400x128xi32>
    %mul3A_88 = arith.constant 128 : i32
    %mul3A_89 = vector.broadcast %mul3A_88 : i32 to vector<400x128xi32>
    %mul3A_90 = arith.muli %add3A_87, %mul3A_89 : vector<400x128xi32>
    %add3A_91 = arith.addi %mul3A_90, %iota3A_83 : vector<400x128xi32>
    %eq3A = arith.constant 0 : i32
    %eq3A_92 = vector.broadcast %eq3A : i32 to vector<400x128xi32>
    %eq3A_93 = arith.cmpi eq, %add3A_91, %eq3A_92 : vector<400x128xi32>
    %broadcast_in_dim3A = arith.constant 0.000000e+00 : f32
    %broadcast_in_dim3A_94 = vector.broadcast %broadcast_in_dim3A : f32 to vector<400x128xf32>
    %broadcast_in_dim3A_95 = arith.constant 1.000000e+00 : f32
    %broadcast_in_dim3A_96 = vector.broadcast %broadcast_in_dim3A_95 : f32 to vector<400x128xf32>
    %select_n3A = arith.select %eq3A_93, %broadcast_in_dim3A_96, %sub3A : vector<400x128xi1>, vector<400x128xf32>
    %swap3A = arith.constant 0 : index
    %swap3A_97 = arith.constant 0 : index
    %swap3A_98 = arith.constant 0 : index
    %swap3A_99 = vector.load %arg2[%swap3A, %swap3A_97, %swap3A_98] : memref<7x400x128xf32, #tpu.memory_space<vmem>>, vector<1x400x128xf32>
    %swap3A_100 = vector.shape_cast %swap3A_99 : vector<1x400x128xf32> to vector<400x128xf32>
    %swap3A_101 = vector.shape_cast %select_n3A : vector<400x128xf32> to vector<1x400x128xf32>
    tpu.vector_store %arg2[%swap3A, %swap3A_97, %swap3A_98], %swap3A_101 {strides = array<i32>} : memref<7x400x128xf32, #tpu.memory_space<vmem>>, vector<1x400x128xf32>,
    %select_n3A_102 = arith.select %eq3A_93, %broadcast_in_dim3A_94, %add3A : vector<400x128xi1>, vector<400x128xf32>
    %swap3A_103 = arith.constant 1 : index
    %swap3A_104 = arith.constant 0 : index
    %swap3A_105 = arith.constant 0 : index
    %swap3A_106 = vector.load %arg2[%swap3A_103, %swap3A_104, %swap3A_105] : memref<7x400x128xf32, #tpu.memory_space<vmem>>, vector<1x400x128xf32>
    %swap3A_107 = vector.shape_cast %swap3A_106 : vector<1x400x128xf32> to vector<400x128xf32>
    %swap3A_108 = vector.shape_cast %select_n3A_102 : vector<400x128xf32> to vector<1x400x128xf32>
    tpu.vector_store %arg2[%swap3A_103, %swap3A_104, %swap3A_105], %swap3A_108 {strides = array<i32>} : memref<7x400x128xf32, #tpu.memory_space<vmem>>, vector<1x400x128xf32>,
    %select_n3A_109 = arith.select %eq3A_93, %broadcast_in_dim3A_94, %add3A_52 : vector<400x128xi1>, vector<400x128xf32>
    %swap3A_110 = arith.constant 2 : index
    %swap3A_111 = arith.constant 0 : index
    %swap3A_112 = arith.constant 0 : index
    %swap3A_113 = vector.load %arg2[%swap3A_110, %swap3A_111, %swap3A_112] : memref<7x400x128xf32, #tpu.memory_space<vmem>>, vector<1x400x128xf32>
    %swap3A_114 = vector.shape_cast %swap3A_113 : vector<1x400x128xf32> to vector<400x128xf32>
    %swap3A_115 = vector.shape_cast %select_n3A_109 : vector<400x128xf32> to vector<1x400x128xf32>
    tpu.vector_store %arg2[%swap3A_110, %swap3A_111, %swap3A_112], %swap3A_115 {strides = array<i32>} : memref<7x400x128xf32, #tpu.memory_space<vmem>>, vector<1x400x128xf32>,
    %select_n3A_116 = arith.select %eq3A_93, %broadcast_in_dim3A_94, %sub3A_55 : vector<400x128xi1>, vector<400x128xf32>
    %swap3A_117 = arith.constant 3 : index
    %swap3A_118 = arith.constant 0 : index
    %swap3A_119 = arith.constant 0 : index
    %swap3A_120 = vector.load %arg2[%swap3A_117, %swap3A_118, %swap3A_119] : memref<7x400x128xf32, #tpu.memory_space<vmem>>, vector<1x400x128xf32>
    %swap3A_121 = vector.shape_cast %swap3A_120 : vector<1x400x128xf32> to vector<400x128xf32>
    %swap3A_122 = vector.shape_cast %select_n3A_116 : vector<400x128xf32> to vector<1x400x128xf32>
    tpu.vector_store %arg2[%swap3A_117, %swap3A_118, %swap3A_119], %swap3A_122 {strides = array<i32>} : memref<7x400x128xf32, #tpu.memory_space<vmem>>, vector<1x400x128xf32>,
    %select_n3A_123 = arith.select %eq3A_93, %broadcast_in_dim3A_94, %mul3A_78 : vector<400x128xi1>, vector<400x128xf32>
    %swap3A_124 = arith.constant 4 : index
    %swap3A_125 = arith.constant 0 : index
    %swap3A_126 = arith.constant 0 : index
    %swap3A_127 = vector.load %arg2[%swap3A_124, %swap3A_125, %swap3A_126] : memref<7x400x128xf32, #tpu.memory_space<vmem>>, vector<1x400x128xf32>
    %swap3A_128 = vector.shape_cast %swap3A_127 : vector<1x400x128xf32> to vector<400x128xf32>
    %swap3A_129 = vector.shape_cast %select_n3A_123 : vector<400x128xf32> to vector<1x400x128xf32>
    tpu.vector_store %arg2[%swap3A_124, %swap3A_125, %swap3A_126], %swap3A_129 {strides = array<i32>} : memref<7x400x128xf32, #tpu.memory_space<vmem>>, vector<1x400x128xf32>,
    %select_n3A_130 = arith.select %eq3A_93, %broadcast_in_dim3A_94, %mul3A_80 : vector<400x128xi1>, vector<400x128xf32>
    %swap3A_131 = arith.constant 5 : index
    %swap3A_132 = arith.constant 0 : index
    %swap3A_133 = arith.constant 0 : index
    %swap3A_134 = vector.load %arg2[%swap3A_131, %swap3A_132, %swap3A_133] : memref<7x400x128xf32, #tpu.memory_space<vmem>>, vector<1x400x128xf32>
    %swap3A_135 = vector.shape_cast %swap3A_134 : vector<1x400x128xf32> to vector<400x128xf32>
    %swap3A_136 = vector.shape_cast %select_n3A_130 : vector<400x128xf32> to vector<1x400x128xf32>
    tpu.vector_store %arg2[%swap3A_131, %swap3A_132, %swap3A_133], %swap3A_136 {strides = array<i32>} : memref<7x400x128xf32, #tpu.memory_space<vmem>>, vector<1x400x128xf32>,
    %select_n3A_137 = arith.select %eq3A_93, %broadcast_in_dim3A_94, %mul3A_82 : vector<400x128xi1>, vector<400x128xf32>
    %swap3A_138 = arith.constant 6 : index
    %swap3A_139 = arith.constant 0 : index
    %swap3A_140 = arith.constant 0 : index
    %swap3A_141 = vector.load %arg2[%swap3A_138, %swap3A_139, %swap3A_140] : memref<7x400x128xf32, #tpu.memory_space<vmem>>, vector<1x400x128xf32>
    %swap3A_142 = vector.shape_cast %swap3A_141 : vector<1x400x128xf32> to vector<400x128xf32>
    %swap3A_143 = vector.shape_cast %select_n3A_137 : vector<400x128xf32> to vector<1x400x128xf32>
    tpu.vector_store %arg2[%swap3A_138, %swap3A_139, %swap3A_140], %swap3A_143 {strides = array<i32>} : memref<7x400x128xf32, #tpu.memory_space<vmem>>, vector<1x400x128xf32>,
    return
  }
  func.func @transform_0(%arg0: i32) -> (i32, i32, i32) {
    %c0_i32 = arith.constant 0 : i32
    %c0_i32_0 = arith.constant 0 : i32
    %c0_i32_1 = arith.constant 0 : i32
    return %c0_i32, %arg0, %c0_i32_0 : i32, i32, i32
  }
  func.func @transform_1(%arg0: i32) -> (i32, i32, i32) {
    %c0_i32 = arith.constant 0 : i32
    %c0_i32_0 = arith.constant 0 : i32
    %c0_i32_1 = arith.constant 0 : i32
    return %c0_i32, %arg0, %c0_i32_0 : i32, i32, i32
  }
}

</mosaic_0001>

<sc_bundles>
// kernel: body.5.cloned.1.call-start
scs
__scs_entry_jumppad:
0x0: {  	(pc) =	sbr.rel $0x88, $3  }
0x1: {  	(tag) =	ssettag $0x0;
	lr =	simm.s32 $0x1  }
0x2: {  	[smem:$0x3F9F] =	sst lr;
	_ =	strace $0xD0000000  }
0x3: {  	_ = 	snop  }
0x4: {  	_ = 	snop  }
0x5: {  	_ = 	snop  }
0x6: {  	_ = 	snop  }
0x7: {  	_ = 	snop  }
__scs_overlays_trampoline_lowered:
0x8: {  	[smem:$0x3FAE] =	sst s0  }
0x9: {  	[smem:$0x3FAF] =	sst s1  }
0xa: {  	[smem:$0x3FB0] =	sst s2  }
0xb: {  	[smem:$0x3FB1] =	sst s3  }
0xc: {  	[smem:$0x3FB2] =	sst s4  }
0xd: {  	[smem:$0x3FB3] =	sst s5  }
0xe: {  	[smem:$0x3FB4] =	sst s6  }
0xf: {  	[smem:$0x3FB5] =	sst s7  }
0x10: {  	[smem:$0x3FB6] =	sst s8  }
0x11: {  	[smem:$0x3FB7] =	sst s9;
	s0 =	simm.s32 @!p0 $0x0  }
0x12: {  	s1 =	sld [smem:$0x3F9D];
	s0 =	simm.s32 @p0 $0x1  }
0x13: {  	[smem:$0x3FB8] =	sst s0;
	s0 =	simm.s32 @!p1 $0x0  }
0x14: {  	s2 =	sld [smem:$0x3F9C];
	s0 =	simm.s32 @p1 $0x1  }
0x15: {  	[smem:$0x3FB9] =	sst s0;
	s0 =	simm.s32 @!p2 $0x0  }
0x16: {  	s3 =	sld [smem:$0x3FDB];
	s0 =	simm.s32 @p2 $0x1  }
0x17: {  	s4 =	simm.s32 $0x1BF5;
	[smem:$0x3FBB] =	sst s0  }
0x18: {  	s0 =	sld [smem:$0x3F9E];
	_ =	swait.ge [sflag:s4], $0x0  }
0x19: {  	s7 =	sld [smem:$0x3F9F]  }
0x1a: {  	s8 =	sadd.s32 $0xFFFFE003, lr  }
0x1b: {  	s9 =	sadd.s32 $0xFFFFFEF7, lr;
	s5 =	simm.s32 $0xFFFFFFFF;
	p2 =	slt.u32 s8, $0xFFFFF086  }
0x1c: {  	p1 =	slt.u32 s9, $0xF7A;
	s5 =	simm.s32 @!p2 $0x0  }
0x1d: {  	s5 =	simm.s32 @p1 $0x1;
	p0 =	seq.s32 s7, s2  }
0x1e: {  	s7 =	smul.u32 @!p0 $0xF7A, s2;
	p2 =	seq.s32 @!p0 s5, $0x0  }
0x1f: {  	s9 =	smul.u32 $0xF7A, s1;
	s8 =	simm.s32 @!p0 $0x1BF5;
	p2 =	por !p2, p0  }
0x20: {  	[sflag:s8] =	ssyncset.s32 @!p0 $0xFFFFF086;
	s6 =	sadd.s32 @!p0 s3, s7;
	s7 =	simm.s32 @!p0 $0x108  }
0x21: {  	s3 =	sadd.s32 s3, s9;
	s6 =	sadd.s32 @!p0 $0x88, s6;
	s7 =	simm.s32 @p2 $0x1082  }
0x22: {  	[simem:s7], [sflag:s8] =	dma.local @!p0 [hbm:s6], $0xF7A  }
0x23: {  	s9 =	sor.u32 $0xD0000000, s2;
	s6 =	simm.s32 $0x108;
	_ =	swait.ge @!p0 [sflag:s8], $0x0  }
0x24: {  	s3 =	sadd.s32 $0x88, s3;
	s6 =	simm.s32 @!p1 $0x1082;
	[sflag:s4] =	ssyncset.s32 $0xFFFFF086  }
0x25: {  	[simem:s6], [sflag:s4] =	dma.local [hbm:s3], $0xF7A  }
0x26: {  	[smem:$0x3F9F] =	sst s1;
	(tag) =	ssettag s2;
	_ =	strace s9  }
0x27: {  	s1 =	sld [smem:$0x3FAF]  }
0x28: {  	s2 =	sld [smem:$0x3FB0]  }
0x29: {  	s4 =	sld [smem:$0x3FB2]  }
0x2a: {  	p0 =	seq.s32 s5, $0x0;
	s5 =	sld [smem:$0x3FB3]  }
0x2b: {  	s6 =	sld [smem:$0x3FB4]  }
0x2c: {  	s7 =	sld [smem:$0x3FB5]  }
0x2d: {  	s3 =	simm.s32 $0x108;
	s8 =	sld [smem:$0x3FB6]  }
0x2e: {  	s3 =	simm.s32 @!p0 $0x1082;
	s9 =	sld [smem:$0x3FB7]  }
0x2f: {  	lr =	sadd.s32 s0, s3;
	s0 =	sld [smem:$0x3FAE]  }
0x30: {  	s3 =	sld [smem:$0x3FB1]  }
0x31: {  	[smem:$0x3FBA] =	sst s10  }
0x32: {  	s10 =	sld [smem:$0x3FB8];
	_ =	sdelay $0x3  }
0x33: {  	p0 =	seq.s32 s10, $0x1;
	s10 =	sld [smem:$0x3FBA];
	_ =	sdelay $0x3  }
0x34: {  	[smem:$0x3FBA] =	sst s10  }
0x35: {  	s10 =	sld [smem:$0x3FB9];
	_ =	sdelay $0x3  }
0x36: {  	p1 =	seq.s32 s10, $0x1;
	s10 =	sld [smem:$0x3FBA];
	_ =	sdelay $0x3  }
0x37: {  	[smem:$0x3FBA] =	sst s10  }
0x38: {  	s10 =	sld [smem:$0x3FBB]  }
0x39: {  	_ = 	snop;
	(pc) =	sbr.ind lr, $3  }
0x3a: {  	_ = 	snop  }
0x3b: {  	_ = 	snop  }
0x3c: {  	p2 =	seq.s32 s10, $0x1;
	s10 =	sld [smem:$0x3FBA]  }
0x3d: {  	_ =	shalt  }
0x3e: {  	_ =	shalt  }
0x3f: {  	_ =	shalt  }
0x40: {  	_ =	shalt  }
0x41: {  	_ =	shalt  }
0x42: {  	_ =	shalt  }
0x43: {  	_ =	shalt  }
0x44: {  	_ =	shalt  }
0x45: {  	_ =	shalt  }
0x46: {  	_ =	shalt  }
0x47: {  	_ =	shalt  }
0x48: {  	_ =	shalt  }
0x49: {  	_ =	shalt  }
0x4a: {  	_ =	shalt  }
0x4b: {  	_ =	shalt  }
0x4c: {  	_ =	shalt  }
0x4d: {  	_ =	shalt  }
0x4e: {  	_ =	shalt  }
0x4f: {  	_ =	shalt  }
0x50: {  	_ =	shalt  }
0x51: {  	_ =	shalt  }
0x52: {  	_ =	shalt  }
0x53: {  	_ =	shalt  }
0x54: {  	_ =	shalt  }
0x55: {  	_ =	shalt  }
0x56: {  	_ =	shalt  }
0x57: {  	_ =	shalt  }
0x58: {  	_ =	shalt  }
0x59: {  	_ =	shalt  }
0x5a: {  	_ =	shalt  }
0x5b: {  	_ =	shalt  }
0x5c: {  	_ =	shalt  }
0x5d: {  	_ =	shalt  }
0x5e: {  	_ =	shalt  }
0x5f: {  	_ =	shalt  }
0x60: {  	_ =	shalt  }
0x61: {  	_ =	shalt  }
0x62: {  	_ =	shalt  }
0x63: {  	_ =	shalt  }
0x64: {  	_ =	shalt  }
0x65: {  	_ =	shalt  }
0x66: {  	_ =	shalt  }
0x67: {  	_ =	shalt  }
0x68: {  	_ =	shalt  }
0x69: {  	_ =	shalt  }
0x6a: {  	_ =	shalt  }
0x6b: {  	_ =	shalt  }
0x6c: {  	_ =	shalt  }
0x6d: {  	_ =	shalt  }
0x6e: {  	_ =	shalt  }
0x6f: {  	_ =	shalt  }
0x70: {  	_ =	shalt  }
0x71: {  	_ =	shalt  }
0x72: {  	_ =	shalt  }
0x73: {  	_ =	shalt  }
0x74: {  	_ =	shalt  }
0x75: {  	_ =	shalt  }
0x76: {  	_ =	shalt  }
0x77: {  	_ =	shalt  }
0x78: {  	_ =	shalt  }
0x79: {  	_ =	shalt  }
0x7a: {  	_ =	shalt  }
0x7b: {  	_ =	shalt  }
0x7c: {  	_ =	shalt  }
0x7d: {  	_ =	shalt  }
0x7e: {  	_ =	shalt  }
0x7f: {  	_ =	shalt  }
0x80: {  	_ =	shalt  }
0x81: {  	_ =	shalt  }
0x82: {  	_ =	shalt  }
0x83: {  	_ =	shalt  }
0x84: {  	_ =	shalt  }
0x85: {  	_ =	shalt  }
0x86: {  	_ =	shalt  }
0x87: {  	_ =	shalt  }
.Lfunc_end0:
.L_simem_size_0:
called_computation_lowered:
.L_overlay_start_0:
0x88: {  	s2 =	sld [smem:$0x3FD9]  }
0x89: {  	s3 =	sld [smem:$0x3FFE];
	_ =	sdelay $0x1  }
0x8a: {  	s1 =	srdreg.scid  }
0x8b: {  	s0 =	sand.u32 $0x1, s1  }
0x8c: {  	s17 =	sshll.u32 s0, $0xA;
	s2 =	sadd.s32 s3, s2  }
0x8d: {  	s2 =	sadd.s32 s2, s17  }
0x8e: {  	[smem:$0x3FC6] =	sst s2  }
0x8f: {  	_ = 	snop  }
0x90: {  	s2 =	sld [smem:$0x3FD0];
	(tm) =	ssettm $0x1  }
0x91: {  	s18 =	sld [smem:$0x3FFB];
	_ =	sdelay $0x3  }
0x92: {  	_ =	strace s18  }
0x93: {  	s3 =	sld [smem:$0x3FFC];
	_ =	sdelay $0x3  }
0x94: {  	_ =	strace s3  }
0x95: {  	s3 =	sld [smem:$0x3FFD];
	_ =	sdelay $0x3  }
0x96: {  	_ =	strace s3  }
0x97: {  	_ =	strace $0x8FFFFFFF  }
0x98: {  	s19 =	sld [smem:$0x3FDB];
	_ =	sdelay $0x1  }
0x99: {  	s4 =	simm.s32 $_scs_section_size  }
0x9a: {  	s5 =	simm.s32 $_size__tile_overlayer_lowered;
	s6 =	simm.s32 $_tile_overlayer_lowered  }
0x9b: {  	s22 =	simm.s32 $0x1BFF;
	s21 =	sshll.u32 s6, $0x1;
	s3 =	sadd.s32 s4, s19  }
0x9c: {  	s7 =	simm.s32 $0x0;
	s20 =	sshll.u32 s5, $0x1;
	s5 =	sadd.s32 s21, s3  }
0x9d: {  	[timem:s7], [sflag:s22] =	dma.local [hbm:s5], s20  }
0x9e: {  	_ =	swait.ge [sflag:s22], s20  }
0x9f: {  	s4 =	ssub.s32 $0x0, s20;
	[sflag:s22] =	ssyncset.done $0x0  }
0xa0: {  	[sflag:s22] =	ssyncadd.s32 s4;
	_ =	sdelay $0x1  }
0xa1: {  	s23 =	simm.s32 $0x1B8B  }
0xa2: {  	_ =	swait.ge [sflag:s23], $0x1  }
0xa3: {  	[sflag:s23] =	ssyncset.done $0x0  }
0xa4: {  	s25 =	simm.s32 $0x1B8E;
	s24 =	sld [smem:$0x3FFE];
	[sflag:s23] =	ssyncadd.s32 $0xFFFFFFFF  }
0xa5: {  	s26 =	simm.s32 $execute0_lowered;
	[smem:$0x3FD2] =	sst s25  }
0xa6: {  	s5 =	sshll.u32 s26, $0x1;
	_ =	strace $0x80000046;
	[dreg:$0x1] =	wrdreg $0xFFFFFFFF  }
0xa7: {  	s28 =	simm.s32 $_size_execute0_lowered;
	s3 =	sadd.s32 s3, s5;
	[dreg:$0x0] =	wrdreg $0x0  }
0xa8: {  	s5 =	sshll.u32 s28, $0x1;
	[dreg:$0x2] =	wrdreg s3  }
0xa9: {  	[dreg:$0x3] =	wrdreg s5  }
0xaa: {  	[dreg:$0x4] =	wrdreg $0xC0  }
0xab: {  	_ =	task [dreg:s7], $0x5FFFF  }
0xac: {  	[dreg:$0x1] =	wrdreg $0xFFFFFFFF  }
0xad: {  	[dreg:$0x0] =	wrdreg $0x60  }
0xae: {  	[dreg:$0x2] =	wrdreg s24  }
0xaf: {  	[dreg:$0x3] =	wrdreg s2  }
0xb0: {  	[dreg:$0x4] =	wrdreg $0xD4900  }
0xb1: {  	[dreg:$0x5] =	wrdreg $0x9  }
0xb2: {  	_ =	task.clear_ibuf [dreg:s7], $0x6FFFF;
	_ =	strace $0x90000046  }
0xb3: {  	s29 =	simm.s32 $0x9;
	_ =	strace $0x80000048  }
0xb4: {  	_ =	swait.ge [sflag:s29], $0x1  }
0xb5: {  	[sflag:s29] =	ssyncadd.s32 $0xFFFFFFFF  }
0xb6: {  	_ =	strace $0x90000048  }
0xb7: {  	_ =	sfence  }
0xb8: {  	s30 =	sld [smem:$0x0];
	_ =	sdelay $0x2  }
0xb9: {  	s31 =	sshll.u32 s1, $0xD;
	s1 =	sshrl.u32 s1, $0x2  }
0xba: {  	s3 =	sand.u32 $0x4000, s31;
	s1 =	sadd.s32 s1, s30  }
0xbb: {  	s0 =	sor.u32 s3, s0;
	s1 =	sshll.u32 s1, $0x11  }
0xbc: {  	s0 =	sor.u32 s1, s0  }
0xbd: {  	s0 =	sadd.s32 $0x8F2B, s0  }
0xbe: {  	[sflag:s0] =	ssyncadd.remote.s32 $0x1  }
0xbf: {  	_ =	sfence.sel $0xFFFF  }
0xc0: {  	[dreg:$0x0] =	wrdreg $0xFFFFFFFF;
	(pc) =	sbr.abs _section_cstart, $3  }
0xc1: {  	[dreg:$0x1] =	wrdreg $0xFFFFFFFF  }
0xc2: {  	_ =	task.clear_ibuf [dreg:s7], $0x2FFFF;
	_ =	strace $0x9FFFFFFF  }
0xc3: {  	(tm) =	ssettm $0x7FFFFFFF  }
tec
execute0_lowered:
.L_overlay_start_1:
0x0: {  	(tag) =	ssettag $0x1  }
0x1: {  	s0 =	rddreg [dreg:$0x0];
	s1 =	srdreg.scid  }
0x2: {  	s11 =	stileid.u32;
	s8 =	rddreg [dreg:$0x1]  }
0x3: {  	s2 =	rddreg [dreg:$0x2];
	s12 =	simm.s32 $0x2;
	s13 =	simm.s32 $0x80  }
0x4: {  	s14 =	simm.s32 $0xC800;
	s15 =	simm.s32 $0x6400;
	s18 =	simm.s32 $0xD180  }
0x5: {  	s19 =	simm.s32 $0xB000;
	s20 =	simm.s32 $0xD200;
	s21 =	simm.s32 $0xB400  }
0x6: {  	s22 =	simm.s32 $0xD280;
	s23 =	simm.s32 $0xB800;
	s28 =	simm.s32 $0xC000  }
0x7: {  	s29 =	simm.s32 $0xD400;
	s30 =	simm.s32 $0xC400;
	s31 =	simm.s32 $0x1  }
0x8: {  	s1 =	sand.u32 $0x1, s1;
	s3 =	sshll.u32 s11, $0x1;
	s4 =	smul.u32 $0xC800, s11  }
0x9: {  	s9 =	sadd.s32 $0x190C00, s0;
	s25 =	sshll.u32 s11, $0x6;
	s11 =	simm.s32 $0x3  }
0xa: {  	s7 =	sor.u32 s1, s3;
	s3 =	simm.s32 $0x0;
	s1 =	ssub.s32 $0x2, s1  }
0xb: {  	s6 =	smul.u32 $0xC80, s7;
	[smem:$0x7FF] =	sst s3;
	s5 =	sshrl.u32 s1, $0x1  }
0xc: {  	s24 =	sshrl.u32 s4, $0x3;
	s10 =	sadd.s32 s4, s2;
	s26 =	sshll.u32 s7, $0x1  }
0xd: {  	_ =	strace $0x80000047;
	s1 =	ssub.s32 s1, s5;
	s4 =	sadd.s32 s9, s24  }
0xe: {  	s5 =	sor.u32 $0x1C02, s25;
	s8 =	sadd.s32 s8, s26;
	s10 =	sshrl.u32 s10, $0x3  }
0xf: {  	s24 =	simm.s32 $0xD300;
	s25 =	simm.s32 $0xBC00;
	s26 =	simm.s32 $0xD380  }
0x10: {  	v0 =	vlaneseq.u32;
	s0 =	sadd.s32 s6, s0;
	s6 =	sadd.s32 s9, s6;
	s9 =	smax.u32 s1, $0x1  }
0x11: {  	v0 =	vmul.u32 $0x8, v0;
	s1 =	simm.s32 $0xD480;
	s7 =	sadd.s32 $0x1A9C00, s0;
	s0 =	simm.s32 $0x0  }
.LBB2_1:
0x12: {  	v1 =	vmov s3  }
0x13: {  	v1 =	vshll.u32 v1, $0x3  }
0x14: {  	v1 =	vor.u32 v0, v1  }
0x15: {  	[spmem:s10], [sflag:s5] =	dma.local [hbm:s4], $0x1900;
	v1 =	vor.u32 $0x7, v1  }
0x16: {  	[tilespmem:s3], [sflag:$0x3] =	stream.linear.gather [hbm4b:s6+s3], $0x6400, $0x38;
	[tilespmem:$0x19C90] =	vst v63  }
0x17: {  	_ =	swait.ge [sflag:s11], $0x6400  }
0x18: {  	[sflag:s11] =	ssyncset.done $0x0  }
0x19: {  	s16 =	simm.s32 $0x10;
	[sflag:s11] =	ssyncadd.s32 $0xFFFF9C00  }
0x1a: {  	v3 =	vld.idx.msk [tilespmem:v1+s3+$0x0], $0xffff;
	v1 =	vmov s16  }
0x1b: {  	v1 =	vshll.u32 v1, $0x3  }
0x1c: {  	v1 =	vor.u32 v0, v1  }
0x1d: {  	v1 =	vor.u32 $0x7, v1;
	_ =	sdelay $0x2  }
0x1e: {  	s17 =	simm.s32 $0x20  }
0x1f: {  	v2 =	vmov s17;
	s17 =	simm.s32 $0x30;
	s16 =	simm.s32 $0xC800;
	[tilespmem:s14+$0x0] =	vst v3  }
.LBB2_2:
0x20: {  	p0 =	sne.s32 s17, $0xC70;
	v2 =	vshll.u32 v2, $0x3;
	v3 =	vld.idx.msk [tilespmem:v1+s3+$0x0], $0xffff  }
0x21: {  	v1 =	vor.u32 v0, v2  }
.Ltmp0:
0x22: {  	v1 =	vor.u32 $0x7, v1;
	(pc) =	sbr.rel @p0 .LBB2_2-.Ltmp0, $3  }
0x23: {  	_ =	sdelay $0x1  }
0x24: {  	s16 =	sadd.s32 $0x10, s16  }
0x25: {  	v2 =	vmov s17;
	s17 =	sadd.s32 $0x10, s17;
	[tilespmem:s16+$0x0] =	vst v3  }
0x26: {  	_ =	sdelay $0x2  }
0x27: {  	v2 =	vshll.u32 v2, $0x3  }
0x28: {  	v1 =	vld.idx.msk [tilespmem:v1+s3+$0x0], $0xffff;
	v2 =	vor.u32 v0, v2  }
0x29: {  	v2 =	vor.u32 $0x7, v2;
	_ =	sdelay $0x2  }
0x2a: {  	s16 =	sadd.s32 $0x10, s16  }
0x2b: {  	[tilespmem:s16+$0x0] =	vst v1  }
0x2c: {  	v1 =	vld.idx.msk [tilespmem:v2+s3+$0x0], $0xffff;
	_ =	sdelay $0x3  }
0x2d: {  	s16 =	sadd.s32 $0x10, s16  }
0x2e: {  	[tilespmem:s16+$0x0] =	vst v1  }
0x2f: {  	_ =	swait.ge [sflag:s12], $0x1900  }
0x30: {  	[sflag:s12] =	ssyncset.done $0x0  }
0x31: {  	[sflag:s12] =	ssyncadd.s32 $0xFFFFE700  }
0x32: {  	[bflag:$0x0] =	sbarrier.arrive $0xFFFF  }
0x33: {  	[tilespmem:s15], [sflag:$0x1] =	stream.indirect.gather [spmem:s2], $0x8, s14, s13, $0xb8;
	[tilespmem:$0x19C90] =	vst v63  }
0x34: {  	s17 =	simm.s32 $0x6800;
	s16 =	simm.s32 $0xC880  }
0x35: {  	[tilespmem:s17], [sflag:$0x1] =	stream.indirect.gather [spmem:s2], $0x8, s16, s13, $0xb8;
	[tilespmem:$0x19C90] =	vst v63  }
0x36: {  	s16 =	simm.s32 $0xC900;
	s17 =	simm.s32 $0x6C00  }
0x37: {  	[tilespmem:s17], [sflag:$0x1] =	stream.indirect.gather [spmem:s2], $0x8, s16, s13, $0xb8;
	[tilespmem:$0x19C90] =	vst v63  }
0x38: {  	s16 =	simm.s32 $0xC980;
	s17 =	simm.s32 $0x7000  }
0x39: {  	[tilespmem:s17], [sflag:$0x1] =	stream.indirect.gather [spmem:s2], $0x8, s16, s13, $0xb8;
	[tilespmem:$0x19C90] =	vst v63  }
0x3a: {  	s16 =	simm.s32 $0xCA00;
	s17 =	simm.s32 $0x7400  }
0x3b: {  	[tilespmem:s17], [sflag:$0x1] =	stream.indirect.gather [spmem:s2], $0x8, s16, s13, $0xb8;
	[tilespmem:$0x19C90] =	vst v63  }
0x3c: {  	s16 =	simm.s32 $0xCA80;
	s17 =	simm.s32 $0x7800  }
0x3d: {  	[tilespmem:s17], [sflag:$0x1] =	stream.indirect.gather [spmem:s2], $0x8, s16, s13, $0xb8;
	[tilespmem:$0x19C90] =	vst v63  }
0x3e: {  	s16 =	simm.s32 $0xCB00;
	s17 =	simm.s32 $0x7C00  }
0x3f: {  	[tilespmem:s17], [sflag:$0x1] =	stream.indirect.gather [spmem:s2], $0x8, s16, s13, $0xb8;
	[tilespmem:$0x19C90] =	vst v63  }
0x40: {  	s16 =	simm.s32 $0xCB80;
	s17 =	simm.s32 $0x8000  }
0x41: {  	[tilespmem:s17], [sflag:$0x1] =	stream.indirect.gather [spmem:s2], $0x8, s16, s13, $0xb8;
	[tilespmem:$0x19C90] =	vst v63  }
0x42: {  	s16 =	simm.s32 $0xCC00;
	s17 =	simm.s32 $0x8400  }
0x43: {  	[tilespmem:s17], [sflag:$0x1] =	stream.indirect.gather [spmem:s2], $0x8, s16, s13, $0xb8;
	[tilespmem:$0x19C90] =	vst v63  }
0x44: {  	s16 =	simm.s32 $0xCC80;
	s17 =	simm.s32 $0x8800  }
0x45: {  	[tilespmem:s17], [sflag:$0x1] =	stream.indirect.gather [spmem:s2], $0x8, s16, s13, $0xb8;
	[tilespmem:$0x19C90] =	vst v63  }
0x46: {  	s16 =	simm.s32 $0xCD00;
	s17 =	simm.s32 $0x8C00  }
0x47: {  	[tilespmem:s17], [sflag:$0x1] =	stream.indirect.gather [spmem:s2], $0x8, s16, s13, $0xb8;
	[tilespmem:$0x19C90] =	vst v63  }
0x48: {  	s16 =	simm.s32 $0xCD80;
	s17 =	simm.s32 $0x9000  }
0x49: {  	[tilespmem:s17], [sflag:$0x1] =	stream.indirect.gather [spmem:s2], $0x8, s16, s13, $0xb8;
	[tilespmem:$0x19C90] =	vst v63  }
0x4a: {  	s16 =	simm.s32 $0xCE00;
	s17 =	simm.s32 $0x9400  }
0x4b: {  	[tilespmem:s17], [sflag:$0x1] =	stream.indirect.gather [spmem:s2], $0x8, s16, s13, $0xb8;
	[tilespmem:$0x19C90] =	vst v63  }
0x4c: {  	s16 =	simm.s32 $0xCE80;
	s17 =	simm.s32 $0x9800  }
0x4d: {  	[tilespmem:s17], [sflag:$0x1] =	stream.indirect.gather [spmem:s2], $0x8, s16, s13, $0xb8;
	[tilespmem:$0x19C90] =	vst v63  }
0x4e: {  	s16 =	simm.s32 $0xCF00;
	s17 =	simm.s32 $0x9C00  }
0x4f: {  	[tilespmem:s17], [sflag:$0x1] =	stream.indirect.gather [spmem:s2], $0x8, s16, s13, $0xb8;
	[tilespmem:$0x19C90] =	vst v63  }
0x50: {  	s16 =	simm.s32 $0xCF80;
	s17 =	simm.s32 $0xA000  }
0x51: {  	[tilespmem:s17], [sflag:$0x1] =	stream.indirect.gather [spmem:s2], $0x8, s16, s13, $0xb8;
	[tilespmem:$0x19C90] =	vst v63  }
0x52: {  	s16 =	simm.s32 $0xD000;
	s17 =	simm.s32 $0xA400  }
0x53: {  	[tilespmem:s17], [sflag:$0x1] =	stream.indirect.gather [spmem:s2], $0x8, s16, s13, $0xb8;
	[tilespmem:$0x19C90] =	vst v63  }
0x54: {  	s16 =	simm.s32 $0xD080;
	s17 =	simm.s32 $0xA800  }
0x55: {  	[tilespmem:s17], [sflag:$0x1] =	stream.indirect.gather [spmem:s2], $0x8, s16, s13, $0xb8;
	[tilespmem:$0x19C90] =	vst v63  }
0x56: {  	s16 =	simm.s32 $0xD100;
	s17 =	simm.s32 $0xAC00  }
0x57: {  	[tilespmem:s17], [sflag:$0x1] =	stream.indirect.gather [spmem:s2], $0x8, s16, s13, $0xb8;
	[tilespmem:$0x19C90] =	vst v63  }
0x58: {  	_ = 	snop  }
0x59: {  	[tilespmem:s19], [sflag:$0x1] =	stream.indirect.gather [spmem:s2], $0x8, s18, s13, $0xb8;
	[tilespmem:$0x19C90] =	vst v63  }
0x5a: {  	_ = 	snop  }
0x5b: {  	[tilespmem:s21], [sflag:$0x1] =	stream.indirect.gather [spmem:s2], $0x8, s20, s13, $0xb8;
	[tilespmem:$0x19C90] =	vst v63  }
0x5c: {  	_ = 	snop  }
0x5d: {  	[tilespmem:s23], [sflag:$0x1] =	stream.indirect.gather [spmem:s2], $0x8, s22, s13, $0xb8;
	[tilespmem:$0x19C90] =	vst v63  }
0x5e: {  	_ = 	snop  }
0x5f: {  	[tilespmem:s25], [sflag:$0x1] =	stream.indirect.gather [spmem:s2], $0x8, s24, s13, $0xb8;
	[tilespmem:$0x19C90] =	vst v63  }
0x60: {  	_ = 	snop  }
0x61: {  	[tilespmem:s28], [sflag:$0x1] =	stream.indirect.gather [spmem:s2], $0x8, s26, s13, $0xb8;
	[tilespmem:$0x19C90] =	vst v63  }
0x62: {  	_ = 	snop  }
0x63: {  	[tilespmem:s30], [sflag:$0x1] =	stream.indirect.gather [spmem:s2], $0x8, s29, s13, $0xb8;
	[tilespmem:$0x19C90] =	vst v63  }
0x64: {  	_ =	swait.ge [sflag:s31], $0x400  }
0x65: {  	[sflag:s31] =	ssyncset.done $0x0  }
0x66: {  	[sflag:s31] =	ssyncadd.s32 $0xFFFFFC00  }
0x67: {  	_ =	swait.ge [sflag:s31], $0x400  }
0x68: {  	[sflag:s31] =	ssyncset.done $0x0  }
0x69: {  	[sflag:s31] =	ssyncadd.s32 $0xFFFFFC00  }
0x6a: {  	_ =	swait.ge [sflag:s31], $0x400  }
0x6b: {  	[sflag:s31] =	ssyncset.done $0x0  }
0x6c: {  	[sflag:s31] =	ssyncadd.s32 $0xFFFFFC00  }
0x6d: {  	_ =	swait.ge [sflag:s31], $0x400  }
0x6e: {  	[sflag:s31] =	ssyncset.done $0x0  }
0x6f: {  	[sflag:s31] =	ssyncadd.s32 $0xFFFFFC00  }
0x70: {  	_ =	swait.ge [sflag:s31], $0x400  }
0x71: {  	[sflag:s31] =	ssyncset.done $0x0  }
0x72: {  	[sflag:s31] =	ssyncadd.s32 $0xFFFFFC00  }
0x73: {  	_ =	swait.ge [sflag:s31], $0x400  }
0x74: {  	[sflag:s31] =	ssyncset.done $0x0  }
0x75: {  	[sflag:s31] =	ssyncadd.s32 $0xFFFFFC00  }
0x76: {  	_ =	swait.ge [sflag:s31], $0x400  }
0x77: {  	[sflag:s31] =	ssyncset.done $0x0  }
0x78: {  	[sflag:s31] =	ssyncadd.s32 $0xFFFFFC00  }
0x79: {  	_ =	swait.ge [sflag:s31], $0x400  }
0x7a: {  	[sflag:s31] =	ssyncset.done $0x0  }
0x7b: {  	[sflag:s31] =	ssyncadd.s32 $0xFFFFFC00  }
0x7c: {  	_ =	swait.ge [sflag:s31], $0x400  }
0x7d: {  	[sflag:s31] =	ssyncset.done $0x0  }
0x7e: {  	[sflag:s31] =	ssyncadd.s32 $0xFFFFFC00  }
0x7f: {  	_ =	swait.ge [sflag:s31], $0x400  }
0x80: {  	[sflag:s31] =	ssyncset.done $0x0  }
0x81: {  	[sflag:s31] =	ssyncadd.s32 $0xFFFFFC00  }
0x82: {  	_ =	swait.ge [sflag:s31], $0x400  }
0x83: {  	[sflag:s31] =	ssyncset.done $0x0  }
0x84: {  	[sflag:s31] =	ssyncadd.s32 $0xFFFFFC00  }
0x85: {  	_ =	swait.ge [sflag:s31], $0x400  }
0x86: {  	[sflag:s31] =	ssyncset.done $0x0  }
0x87: {  	[sflag:s31] =	ssyncadd.s32 $0xFFFFFC00  }
0x88: {  	_ =	swait.ge [sflag:s31], $0x400  }
0x89: {  	[sflag:s31] =	ssyncset.done $0x0  }
0x8a: {  	[sflag:s31] =	ssyncadd.s32 $0xFFFFFC00  }
0x8b: {  	_ =	swait.ge [sflag:s31], $0x400  }
0x8c: {  	[sflag:s31] =	ssyncset.done $0x0  }
0x8d: {  	[sflag:s31] =	ssyncadd.s32 $0xFFFFFC00  }
0x8e: {  	_ =	swait.ge [sflag:s31], $0x400  }
0x8f: {  	[sflag:s31] =	ssyncset.done $0x0  }
0x90: {  	[sflag:s31] =	ssyncadd.s32 $0xFFFFFC00  }
0x91: {  	_ =	swait.ge [sflag:s31], $0x400  }
0x92: {  	[sflag:s31] =	ssyncset.done $0x0  }
0x93: {  	[sflag:s31] =	ssyncadd.s32 $0xFFFFFC00  }
0x94: {  	_ =	swait.ge [sflag:s31], $0x400  }
0x95: {  	[sflag:s31] =	ssyncset.done $0x0  }
0x96: {  	[sflag:s31] =	ssyncadd.s32 $0xFFFFFC00  }
0x97: {  	_ =	swait.ge [sflag:s31], $0x400  }
0x98: {  	[sflag:s31] =	ssyncset.done $0x0  }
0x99: {  	[sflag:s31] =	ssyncadd.s32 $0xFFFFFC00  }
0x9a: {  	_ =	swait.ge [sflag:s31], $0x400  }
0x9b: {  	[sflag:s31] =	ssyncset.done $0x0  }
0x9c: {  	[sflag:s31] =	ssyncadd.s32 $0xFFFFFC00  }
0x9d: {  	_ =	swait.ge [sflag:s31], $0x400  }
0x9e: {  	[sflag:s31] =	ssyncset.done $0x0  }
0x9f: {  	[sflag:s31] =	ssyncadd.s32 $0xFFFFFC00  }
0xa0: {  	_ =	swait.ge [sflag:s31], $0x400  }
0xa1: {  	[sflag:s31] =	ssyncset.done $0x0  }
0xa2: {  	[sflag:s31] =	ssyncadd.s32 $0xFFFFFC00  }
0xa3: {  	_ =	swait.ge [sflag:s31], $0x400  }
0xa4: {  	[sflag:s31] =	ssyncset.done $0x0  }
0xa5: {  	[sflag:s31] =	ssyncadd.s32 $0xFFFFFC00  }
0xa6: {  	s17 =	simm.s32 $0x0;
	_ =	swait.ge [sflag:s31], $0x400  }
0xa7: {  	v1 =	vmov s17;
	[sflag:s31] =	ssyncset.done $0x0  }
0xa8: {  	v1 =	vshll.u32 v1, $0x3;
	[sflag:s31] =	ssyncadd.s32 $0xFFFFFC00  }
0xa9: {  	v8 =	vor.u32 v0, v1;
	_ =	swait.ge [sflag:s31], $0x400  }
0xaa: {  	v9 =	vor.u32 $0x1, v8;
	[sflag:s31] =	ssyncset.done $0x0  }
0xab: {  	v5 =	vor.u32 $0x2, v8;
	[sflag:s31] =	ssyncadd.s32 $0xFFFFFC00  }
0xac: {  	v2 =	vor.u32 $0x6, v8;
	_ =	swait.ge [sflag:s31], $0x400  }
0xad: {  	v3 =	vor.u32 $0x5, v8;
	[sflag:s31] =	ssyncset.done $0x0  }
0xae: {  	v7 =	vor.u32 $0x3, v8;
	[sflag:s31] =	ssyncadd.s32 $0xFFFFFC00  }
0xaf: {  	v6 =	vor.u32 $0x4, v8;
	v14 =	vld.idx.msk [tilespmem:v9+s15+$0x0], $0xffff  }
0xb0: {  	v16 =	vld.idx.msk [tilespmem:v5+s15+$0x0], $0xffff  }
0xb1: {  	v18 =	vld.idx.msk [tilespmem:v2+s3+$0x0], $0xffff  }
0xb2: {  	v11 =	vld.idx.msk [tilespmem:v3+s3+$0x0], $0xffff  }
0xb3: {  	v12 =	vld.idx.msk [tilespmem:v7+s15+$0x0], $0xffff  }
0xb4: {  	v19 =	vld.idx.msk [tilespmem:v6+s3+$0x0], $0xffff  }
0xb5: {  	v13 =	vld.idx.msk [tilespmem:v8+s3+$0x0], $0xffff  }
0xb6: {  	v15 =	vld.idx.msk [tilespmem:v8+s15+$0x0], $0xffff  }
0xb7: {  	v1 =	vor.u32 $0x7, v8;
	v34 =	vld.idx.msk [tilespmem:v9+s3+$0x0], $0xffff  }
0xb8: {  	v17 =	vld.idx.msk [tilespmem:v5+s3+$0x0], $0xffff  }
0xb9: {  	v29 =	vld.idx.msk [tilespmem:v2+s15+$0x0], $0xffff;
	v10 =	vmul.f32 v18, v16  }
0xba: {  	v22 =	vld.idx.msk [tilespmem:v7+s3+$0x0], $0xffff;
	v21 =	vmul.f32 v18, v14;
	v23 =	vmul.f32 v11, v14  }
0xbb: {  	v24 =	vmul.f32 v19, v12;
	v27 =	vmul.f32 v11, v12  }
0xbc: {  	v4 =	vld.idx.msk [tilespmem:v1+s15+$0x0], $0xffff;
	v30 =	vmul.f32 v19, v16;
	v20 =	vmul.f32 v13, v16  }
0xbd: {  	v28 =	vimm.s32 $0x0;
	v31 =	vld.idx.msk [tilespmem:v6+s15+$0x0], $0xffff;
	v25 =	vmul.f32 v13, v15;
	v32 =	vmul.f32 v13, v14  }
0xbe: {  	v26 =	vmul.f32 v34, v16;
	v33 =	vmul.f32 v17, v14;
	v18 =	vadd.f32 v18, v29  }
0xbf: {  	v38 =	vmul.f32 v22, v15;
	v36 =	vmul.f32 v22, v14;
	v24 =	vsub.f32 v24, v21  }
0xc0: {  	v35 =	vsub.f32 v23, v30;
	v23 =	vsub.f32 v10, v27;
	v30 =	vmul.f32 v17, v15  }
0xc1: {  	v10 =	vor.u32 v28, v4;
	v28 =	vmul.f32 v34, v15;
	v27 =	vmul.f32 v15, v24  }
0xc2: {  	v19 =	vadd.f32 v19, v31;
	v21 =	vmul.f32 v15, v35;
	v37 =	vmul.f32 v12, v23  }
0xc3: {  	v33 =	vadd.f32 v38, v33;
	v29 =	vmul.f32 v12, v24;
	v39 =	vmul.f32 v14, v35  }
0xc4: {  	v31 =	vadd.f32 v28, v32;
	v28 =	vmul.f32 v34, v12;
	v32 =	vmul.f32 v16, v35  }
0xc5: {  	s16 =	simm.s32 $0x10;
	v34 =	vmul.f32 v34, v14;
	v35 =	vmul.f32 v22, v16;
	v37 =	vsub.f32 v37, v39  }
.LBB2_4:
0xc6: {  	p0 =	sne.s32 s16, $0xC70;
	v22 =	vmul.f32 v22, v12;
	v30 =	vsub.f32 v30, v36;
	v36 =	vmul.f32 v16, v23;
	s17 =	smov.u32 s16;
	s16 =	sadd.s32 $0x10, s16  }
0xc7: {  	v16 =	vmul.f32 v17, v16;
	v26 =	vsub.f32 v33, v26;
	v27 =	vadd.f32 v37, v27  }
0xc8: {  	v14 =	vmul.f32 v14, v24;
	v25 =	vsub.f32 v25, v34;
	v31 =	vadd.f32 v35, v31  }
0xc9: {  	v17 =	vmul.f32 v17, v12;
	v29 =	vsub.f32 v32, v29;
	v20 =	vadd.f32 v30, v20;
	v24 =	vld.idx.msk [tilespmem:v3+s15+$0x0], $0xffff  }
0xca: {  	v15 =	vmul.f32 v15, v23;
	v14 =	vsub.f32 v14, v36;
	v23 =	vadd.f32 v27, v27  }
0xcb: {  	v12 =	vmul.f32 v13, v12;
	v16 =	vsub.f32 v25, v16;
	v20 =	vadd.f32 v20, v28  }
0xcc: {  	v13 =	vadd.f32 v29, v15;
	v14 =	vadd.f32 v14, v21  }
0xcd: {  	v15 =	vsub.f32 v16, v22;
	v16 =	vsub.f32 v31, v17  }
0xce: {  	v13 =	vadd.f32 v13, v13;
	v14 =	vadd.f32 v14, v14  }
0xcf: {  	v12 =	vadd.f32 v26, v12;
	v17 =	vmov s17;
	v11 =	vadd.f32 v11, v24;
	[tilespmem:v8+s3+$0x0] =	vst.idx.msk $0xffff, v15  }
0xd0: {  	v13 =	vadd.f32 v13, v19;
	v14 =	vadd.f32 v14, v18;
	v8 =	vshll.u32 v17, $0x3;
	[tilespmem:v9+s3+$0x0] =	vst.idx.msk $0xffff, v16  }
0xd1: {  	v8 =	vor.u32 v0, v8;
	v11 =	vadd.f32 v23, v11;
	[tilespmem:v5+s3+$0x0] =	vst.idx.msk $0xffff, v20  }
0xd2: {  	v9 =	vor.u32 $0x1, v8;
	v5 =	vor.u32 $0x2, v8;
	v15 =	vor.u32 $0x7, v8;
	[tilespmem:v7+s3+$0x0] =	vst.idx.msk $0xffff, v12  }
0xd3: {  	v7 =	vor.u32 $0x3, v8;
	[tilespmem:v6+s3+$0x0] =	vst.idx.msk $0xffff, v13;
	v6 =	vor.u32 $0x4, v8  }
0xd4: {  	v12 =	vor.u32 $0x6, v8;
	[tilespmem:v3+s3+$0x0] =	vst.idx.msk $0xffff, v11  }
0xd5: {  	v3 =	vor.u32 $0x5, v8;
	[tilespmem:v2+s3+$0x0] =	vst.idx.msk $0xffff, v14;
	v2 =	vmov v12  }
0xd6: {  	[tilespmem:v1+s3+$0x0] =	vst.idx.msk $0xffff, v4;
	v1 =	vmov v15  }
0xd7: {  	v4 =	vld.idx.msk [tilespmem:v15+s15+$0x0], $0xffff  }
0xd8: {  	v14 =	vld.idx.msk [tilespmem:v9+s15+$0x0], $0xffff  }
0xd9: {  	v16 =	vld.idx.msk [tilespmem:v5+s15+$0x0], $0xffff  }
0xda: {  	v18 =	vld.idx.msk [tilespmem:v12+s3+$0x0], $0xffff  }
0xdb: {  	v11 =	vld.idx.msk [tilespmem:v3+s3+$0x0], $0xffff  }
0xdc: {  	v12 =	vld.idx.msk [tilespmem:v7+s15+$0x0], $0xffff  }
0xdd: {  	v10 =	vor.u32 v10, v4;
	v19 =	vld.idx.msk [tilespmem:v6+s3+$0x0], $0xffff  }
0xde: {  	v13 =	vld.idx.msk [tilespmem:v8+s3+$0x0], $0xffff  }
0xdf: {  	v15 =	vld.idx.msk [tilespmem:v8+s15+$0x0], $0xffff  }
0xe0: {  	v21 =	vmul.f32 v18, v16;
	v23 =	vmul.f32 v18, v14;
	v34 =	vld.idx.msk [tilespmem:v9+s3+$0x0], $0xffff  }
0xe1: {  	v27 =	vmul.f32 v11, v14;
	v17 =	vld.idx.msk [tilespmem:v5+s3+$0x0], $0xffff  }
0xe2: {  	v28 =	vmul.f32 v11, v12;
	v22 =	vld.idx.msk [tilespmem:v7+s3+$0x0], $0xffff  }
0xe3: {  	v24 =	vmul.f32 v19, v12;
	v30 =	vmul.f32 v19, v16;
	v29 =	vld.idx.msk [tilespmem:v2+s15+$0x0], $0xffff  }
0xe4: {  	v20 =	vmul.f32 v13, v16;
	v31 =	vld.idx.msk [tilespmem:v6+s15+$0x0], $0xffff  }
0xe5: {  	v32 =	vmul.f32 v13, v14;
	v25 =	vmul.f32 v13, v15;
	v24 =	vsub.f32 v24, v23  }
0xe6: {  	v35 =	vsub.f32 v27, v30;
	v26 =	vmul.f32 v34, v16  }
0xe7: {  	v23 =	vsub.f32 v21, v28;
	v33 =	vmul.f32 v17, v14;
	v27 =	vmul.f32 v15, v24  }
0xe8: {  	v30 =	vmul.f32 v17, v15;
	v21 =	vmul.f32 v15, v35  }
.Ltmp1:
0xe9: {  	v28 =	vmul.f32 v34, v15;
	v37 =	vmul.f32 v12, v23;
	v18 =	vadd.f32 v18, v29;
	(pc) =	sbr.rel @p0 .LBB2_4-.Ltmp1, $4  }
0xea: {  	v38 =	vmul.f32 v22, v15;
	v29 =	vmul.f32 v12, v24;
	v19 =	vadd.f32 v19, v31  }
0xeb: {  	v39 =	vmul.f32 v14, v35;
	v36 =	vmul.f32 v22, v14;
	v31 =	vadd.f32 v28, v32  }
0xec: {  	v28 =	vmul.f32 v34, v12;
	v33 =	vadd.f32 v38, v33;
	v32 =	vmul.f32 v16, v35  }
0xed: {  	v37 =	vsub.f32 v37, v39;
	v34 =	vmul.f32 v34, v14;
	v35 =	vmul.f32 v22, v16  }
0xee: {  	v22 =	vmul.f32 v22, v12;
	v30 =	vsub.f32 v30, v36  }
0xef: {  	v52 =	vmul.f32 v16, v23;
	v26 =	vsub.f32 v33, v26;
	v53 =	vmul.f32 v17, v16  }
0xf0: {  	v14 =	vmul.f32 v14, v24;
	v29 =	vsub.f32 v32, v29;
	v25 =	vsub.f32 v25, v34  }
0xf1: {  	v15 =	vmul.f32 v15, v23;
	v27 =	vadd.f32 v37, v27;
	v31 =	vadd.f32 v35, v31  }
0xf2: {  	v54 =	vld.idx.msk [tilespmem:v3+s15+$0x0], $0xffff;
	v57 =	vmul.f32 v13, v12;
	v20 =	vadd.f32 v30, v20;
	v16 =	vsub.f32 v25, v53  }
0xf3: {  	v55 =	vmul.f32 v17, v12;
	v14 =	vsub.f32 v14, v52;
	v15 =	vadd.f32 v29, v15  }
0xf4: {  	v59 =	vadd.f32 v26, v57;
	v16 =	vsub.f32 v16, v22  }
0xf5: {  	v58 =	vsub.f32 v31, v55;
	v20 =	vadd.f32 v20, v28  }
0xf6: {  	v14 =	vadd.f32 v14, v21;
	v15 =	vadd.f32 v15, v15;
	[tilespmem:v8+s3+$0x0] =	vst.idx.msk $0xffff, v16  }
0xf7: {  	v56 =	vadd.f32 v27, v27;
	v11 =	vadd.f32 v11, v54;
	[tilespmem:v9+s3+$0x0] =	vst.idx.msk $0xffff, v58  }
0xf8: {  	v60 =	vadd.f32 v14, v14;
	v61 =	vadd.f32 v15, v19;
	[tilespmem:v5+s3+$0x0] =	vst.idx.msk $0xffff, v20  }
0xf9: {  	v62 =	vadd.f32 v56, v11;
	[tilespmem:v7+s3+$0x0] =	vst.idx.msk $0xffff, v59  }
0xfa: {  	v63 =	vadd.f32 v60, v18;
	[tilespmem:v6+s3+$0x0] =	vst.idx.msk $0xffff, v61  }
0xfb: {  	[tilespmem:v3+s3+$0x0] =	vst.idx.msk $0xffff, v62  }
0xfc: {  	[tilespmem:v2+s3+$0x0] =	vst.idx.msk $0xffff, v63  }
0xfd: {  	[tilespmem:v1+s3+$0x0] =	vst.idx.msk $0xffff, v4  }
0xfe: {  	[tilespmem:$0xD480] =	vst v10  }
0xff: {  	[hbm4b:s7+s3] =	stream.linear.scatter [tilespmem:s3], [sflag:$0x3], $0x6400, $0x38;
	[tilespmem:$0x19C90] =	vst v63  }
0x100: {  	s0 =	sadd.s32 $0x1, s0;
	_ =	swait.ge [sflag:s11], $0x6400  }
0x101: {  	p0 =	sne.s32 s0, s9;
	[sflag:s11] =	ssyncset.done $0x0  }
.Ltmp2:
0x102: {  	[sflag:s11] =	ssyncadd.s32 $0xFFFF9C00;
	(pc) =	sbr.rel @p0 .LBB2_1-.Ltmp2, $4  }
0x103: {  	[hbm4b:s8+s3] =	stream.linear.scatter [tilespmem:s1], [sflag:$0x3], $0x10, $0x38;
	[tilespmem:$0x19C90] =	vst v63  }
0x104: {  	_ =	swait.ge [sflag:s11], $0x10  }
0x105: {  	[sflag:s11] =	ssyncset.done $0x0  }
0x106: {  	[sflag:s11] =	ssyncadd.s32 $0xFFFFFFF0  }
0x107: {  	_ =	sfence.sel $0x180000  }
0x108: {  	[bflag:$0x0] =	sbarrier.arrive $0xFFFF  }
0x109: {  	_ =	strace $0x90000047  }
0x10a: {  	s0 =	stileid.u32;
	[bflag:$0x2] =	sbarrier.arrive $0xFFFF  }
0x10b: {  	p0 =	sne.s32 s0, $0x0;
	s0 =	rddreg [dreg:$0x3]  }
0x10c: {  	s0 =	sadd.s32 @!p0 $0x100000, s0  }
0x10d: {  	[sflag:s0] =	ssyncadd.tile.s32 @!p0 $0x1;
	_ =	shalt  }
.Lfunc_end2:
_tile_overlayer_lowered:
.L_overlay_start_2:
0x10e: {  	(tag) =	ssettag $0x2  }
0x10f: {  	s0 =	rddreg [dreg:$0x0];
	s2 =	stileid.u32  }
0x110: {  	s1 =	rddreg [dreg:$0x1];
	p0 =	sne.s32 s2, $0x0  }
0x111: {  	s3 =	rddreg [dreg:$0x2];
	[bflag:$0x3] =	sbarrier.arrive $0xFFFF;
	s2 =	simm.s32 @!p0 $0x1C03  }
0x112: {  	[timem:s3], [sflag:s2] =	dma.local @!p0 [hbm:s0], s1  }
0x113: {  	s0 =	simm.s32 @!p0 $0x3  }
0x114: {  	_ =	swait.ge @!p0 [sflag:s0], s1  }
0x115: {  	s1 =	ssub.s32 @!p0 $0x0, s1;
	[sflag:s0] =	ssyncset.done @!p0 $0x0  }
0x116: {  	[sflag:s0] =	ssyncadd.s32 @!p0 s1  }
0x117: {  	[bflag:$0x3] =	sbarrier.arrive $0xFFFF  }
0x118: {  	_ =	shalt  }

</sc_bundles>
